<compile_context>
chip_gen: v7x
topology: tpu7x:2x2x1
jax: 0.10.2.dev20260603
libtpu: 0.0.44.dev20260713+nightly
codegen_flags: <defaults>
</compile_context>

<pallas_src>
import functools

import jax
import jax.numpy as jnp
from jax import lax
from jax.experimental import pallas as pl
from jax.experimental.pallas import tpu as pltpu
from jax.experimental.pallas import tpu_sc as plsc

_D = 2048
_SEG_FLAT = 4096
_N_FLAT = 16384
_NC = 2
_NS = 16
_NW = _NC * _NS
_ROWS_PER_W = _N_FLAT // _NW
_C = 32
_L = 16
_KB = 16


def _sc_add_body(x_hbm, emb_hbm, out_hbm, emb_v, buf):
    wid = lax.axis_index("s") * _NC + lax.axis_index("c")
    base = wid * _ROWS_PER_W
    seg = base // _SEG_FLAT
    pltpu.sync_copy(emb_hbm.at[seg], emb_v)

    def chunk(g, carry):
        row0 = base + g * _C
        pltpu.sync_copy(x_hbm.at[pl.ds(row0, _C)], buf)

        for kb in range(0, _D // _L, _KB):
            ev = [emb_v[pl.ds((kb + j) * _L, _L)] for j in range(_KB)]

            def rowloop(r, c2):
                for j in range(_KB):
                    plsc.addupdate(buf.at[r, pl.ds((kb + j) * _L, _L)], ev[j])
                return c2

            lax.fori_loop(0, _C, rowloop, 0)
        pltpu.sync_copy(buf, out_hbm.at[pl.ds(row0, _C)])
        return carry

    lax.fori_loop(0, _ROWS_PER_W // _C, chunk, 0)


_sc_add = functools.partial(
    pl.kernel,
    mesh=plsc.VectorSubcoreMesh(core_axis_name="c", subcore_axis_name="s"),
    out_type=jax.ShapeDtypeStruct((_N_FLAT, _D), jnp.float32),
    scratch_types=[
        pltpu.VMEM((_D,), jnp.float32),
        pltpu.VMEM((_C, _D), jnp.float32),
    ],
)(_sc_add_body)


def kernel(x, emb):
    n, b, d = x.shape
    out = _sc_add(x.reshape(n * b, d), emb)
    return out.reshape(n, b, d)

# --- scband reference (transcript-rebuilt; emitter-appended) ---
"""Pipeline reference for scband-src-encoding-31086973289248 (READ-ONLY COPY).

The authoritative reference and input builder live on the scoring server;
editing this copy changes nothing except your own understanding.
"""

import jax, jax.numpy as jnp
import numpy as np

SOURCE_SIZES = [2048, 2048, 2048, 2048]
D_MODEL = 2048
N_SOURCES = len(SOURCE_SIZES)
# precomputed source-id per position (constant index vector for the gather)
SRC_IDX = np.repeat(np.arange(N_SOURCES, dtype=np.int64), SOURCE_SIZES)


def setup_inputs(seed: int = 0) -> dict:
    key = jax.random.key(seed)
    k1, k2 = jax.random.split(key)
    x = jax.random.normal(k1, (8192, 2, D_MODEL), dtype=jnp.float32)
    # learned source embedding table (nn.Embedding(n_sources, d_model)), N(0,1) init like torch default
    emb = jax.random.normal(k2, (N_SOURCES, D_MODEL), dtype=jnp.float32)
    return {"x": x, "emb": emb}


def reference(x, emb):
    # encoding(): [sum(source_sizes), 1, d_model] built by segment-wise embedding lookup
    idx = jnp.asarray(SRC_IDX)
    enc = jnp.take(emb, idx, axis=0)[:, None, :]  # gather -> [S, 1, d_model]
    # forward: dropout(x + encoding()[:x.size(0)]); dropout is identity in eval mode
    out = x + enc[: x.shape[0]]
    return out

if __name__ == "__main__":
    import jax
    _d = setup_inputs()
    print(jax.jit(kernel)(*tuple(_d.values())))

</pallas_src>

<mosaic_0001>
#map = affine_map<(d0, d1) -> (0, 0)>
module attributes {stable_mosaic.version = 14 : i64} {
  func.func @_sc_add_body(%arg0: i32, %arg1: i32, %arg2: memref<16384x2048xf32, #tpu.memory_space<hbm>>, %arg3: memref<4x2048xf32, #tpu.memory_space<hbm>>, %arg4: memref<16384x2048xf32, #tpu.memory_space<hbm>>, %arg5: memref<2048xf32, #tpu.memory_space<vmem>>, %arg6: memref<32x2048xf32, #tpu.memory_space<vmem>>) attributes {dimension_semantics = [#tpu.dimension_semantics<core_parallel>, #tpu.dimension_semantics<subcore_parallel>], iteration_bounds = array<i64: 2, 16>, scalar_prefetch = 0 : i64, scratch_operands = 2 : i64, tpu.core_type = #tpu.core_type<sc_vector_subcore>, window_params = [{transform_indices = #map}, {transform_indices = #map}, {transform_indices = #map}]} {
    %mul3A = arith.constant 2 : i32
    %mul3A_0 = arith.muli %arg1, %mul3A : i32
    %add3A = arith.addi %mul3A_0, %arg0 : i32
    %mul3A_1 = arith.constant 512 : i32
    %mul3A_2 = arith.muli %add3A, %mul3A_1 : i32
    %jit3A = arith.constant 4096 : i32
    %div3A = arith.divsi %mul3A_2, %jit3A : i32
    %sign3A = arith.constant 0 : i32
    %sign3A_3 = arith.cmpi sgt, %mul3A_2, %sign3A : i32
    %sign3A_4 = arith.extui %sign3A_3 : i1 to i32
    %sign3A_5 = arith.constant 0 : i32
    %sign3A_6 = arith.cmpi slt, %mul3A_2, %sign3A_5 : i32
    %sign3A_7 = arith.extui %sign3A_6 : i1 to i32
    %sign3A_8 = arith.subi %sign3A_4, %sign3A_7 : i32
    %sign3A_9 = arith.constant 0 : i32
    %sign3A_10 = arith.cmpi sgt, %jit3A, %sign3A_9 : i32
    %sign3A_11 = arith.extui %sign3A_10 : i1 to i32
    %sign3A_12 = arith.constant 0 : i32
    %sign3A_13 = arith.cmpi slt, %jit3A, %sign3A_12 : i32
    %sign3A_14 = arith.extui %sign3A_13 : i1 to i32
    %sign3A_15 = arith.subi %sign3A_11, %sign3A_14 : i32
    %ne3A = arith.cmpi ne, %sign3A_8, %sign3A_15 : i32
    %rem3A = arith.remsi %mul3A_2, %jit3A : i32
    %ne3A_16 = arith.constant 0 : i32
    %ne3A_17 = arith.cmpi ne, %rem3A, %ne3A_16 : i32
    %and3A = arith.andi %ne3A, %ne3A_17 : i1
    %sub3A = arith.constant 1 : i32
    %sub3A_18 = arith.subi %div3A, %sub3A : i32
    %select_n3A = arith.select %and3A, %sub3A_18, %div3A : i32
    "tpu.region"() ({
      %run_scoped3A = tpu.sem_alloc : memref<!tpu.dma_semaphore, #tpu.memory_space<semaphore_mem>>
      %dma_start3A = arith.constant 0 : i32
      %dma_start3A_24 = tpu.memref_slice %arg3[%select_n3A, %dma_start3A] : memref<4x2048xf32, #tpu.memory_space<hbm>> -> memref<1x2048xf32, #tpu.memory_space<hbm>>
      %dma_start3A_25 = tpu.memref_squeeze %dma_start3A_24 : memref<1x2048xf32, #tpu.memory_space<hbm>> -> memref<2048xf32, #tpu.memory_space<hbm>>
      %dma_start3A_26 = arith.constant 0 : i32
      %dma_start3A_27 = tpu.memref_slice %arg3[%select_n3A, %dma_start3A_26] : memref<4x2048xf32, #tpu.memory_space<hbm>> -> memref<1x2048xf32, #tpu.memory_space<hbm>>
      %dma_start3A_28 = tpu.memref_squeeze %dma_start3A_27 : memref<1x2048xf32, #tpu.memory_space<hbm>> -> memref<2048xf32, #tpu.memory_space<hbm>>
      tpu.enqueue_dma source(%dma_start3A_28 : memref<2048xf32, #tpu.memory_space<hbm>>) target(%arg5 : memref<2048xf32, #tpu.memory_space<vmem>>) target_semaphore(%run_scoped3A : memref<!tpu.dma_semaphore, #tpu.memory_space<semaphore_mem>>)
      %dma_wait3A = arith.constant 0 : i32
      %dma_wait3A_29 = tpu.memref_slice %arg3[%select_n3A, %dma_wait3A] : memref<4x2048xf32, #tpu.memory_space<hbm>> -> memref<1x2048xf32, #tpu.memory_space<hbm>>
      %dma_wait3A_30 = tpu.memref_squeeze %dma_wait3A_29 : memref<1x2048xf32, #tpu.memory_space<hbm>> -> memref<2048xf32, #tpu.memory_space<hbm>>
      %dma_wait3A_31 = arith.constant 0 : i32
      %dma_wait3A_32 = tpu.memref_slice %arg3[%select_n3A, %dma_wait3A_31] : memref<4x2048xf32, #tpu.memory_space<hbm>> -> memref<1x2048xf32, #tpu.memory_space<hbm>>
      %dma_wait3A_33 = tpu.memref_squeeze %dma_wait3A_32 : memref<1x2048xf32, #tpu.memory_space<hbm>> -> memref<2048xf32, #tpu.memory_space<hbm>>
      tpu.wait_dma2 semaphore(%run_scoped3A : memref<!tpu.dma_semaphore, #tpu.memory_space<semaphore_mem>>) src(%dma_wait3A_33 : memref<2048xf32, #tpu.memory_space<hbm>>) dst(%arg5 : memref<2048xf32, #tpu.memory_space<vmem>>)
      tpu.yield
    }) : () -> ()
    %scan3A = arith.constant 0 : i32
    %scan3A_19 = arith.constant 0 : i32
    %scan3A_20 = arith.constant 16 : i32
    %scan3A_21 = arith.addi %scan3A_19, %scan3A_20 : i32
    %scan3A_22 = arith.constant 1 : i32
    scf.for %scan3A_24 = %scan3A_19 to %scan3A_21 step %scan3A_22  : i32 {
      %mul3A_25 = arith.constant 32 : i32
      %mul3A_26 = arith.muli %scan3A_24, %mul3A_25 : i32
      %add3A_27 = arith.addi %mul3A_2, %mul3A_26 : i32
      "tpu.region"() ({
        %run_scoped3A = tpu.sem_alloc : memref<!tpu.dma_semaphore, #tpu.memory_space<semaphore_mem>>
        %dma_start3A = arith.constant 0 : i32
        %dma_start3A_459 = tpu.memref_slice %arg2[%add3A_27, %dma_start3A] : memref<16384x2048xf32, #tpu.memory_space<hbm>> -> memref<32x2048xf32, #tpu.memory_space<hbm>>
        %dma_start3A_460 = arith.constant 0 : i32
        %dma_start3A_461 = tpu.memref_slice %arg2[%add3A_27, %dma_start3A_460] : memref<16384x2048xf32, #tpu.memory_space<hbm>> -> memref<32x2048xf32, #tpu.memory_space<hbm>>
        tpu.enqueue_dma source(%dma_start3A_461 : memref<32x2048xf32, #tpu.memory_space<hbm>>) target(%arg6 : memref<32x2048xf32, #tpu.memory_space<vmem>>) target_semaphore(%run_scoped3A : memref<!tpu.dma_semaphore, #tpu.memory_space<semaphore_mem>>)
        %dma_wait3A = arith.constant 0 : i32
        %dma_wait3A_462 = tpu.memref_slice %arg2[%add3A_27, %dma_wait3A] : memref<16384x2048xf32, #tpu.memory_space<hbm>> -> memref<32x2048xf32, #tpu.memory_space<hbm>>
        %dma_wait3A_463 = arith.constant 0 : i32
        %dma_wait3A_464 = tpu.memref_slice %arg2[%add3A_27, %dma_wait3A_463] : memref<16384x2048xf32, #tpu.memory_space<hbm>> -> memref<32x2048xf32, #tpu.memory_space<hbm>>
        tpu.wait_dma2 semaphore(%run_scoped3A : memref<!tpu.dma_semaphore, #tpu.memory_space<semaphore_mem>>) src(%dma_wait3A_464 : memref<32x2048xf32, #tpu.memory_space<hbm>>) dst(%arg6 : memref<32x2048xf32, #tpu.memory_space<vmem>>)
        tpu.yield
      }) : () -> ()
      %get3A = arith.constant 0 : index
      %get3A_28 = tpu.vector_load %arg5[%get3A] {strides = array<i32>} : memref<2048xf32, #tpu.memory_space<vmem>>, vector<16xf32>,
      %get3A_29 = vector.shape_cast %get3A_28 : vector<16xf32> to vector<16xf32>
      %get3A_30 = arith.constant 16 : index
      %get3A_31 = tpu.vector_load %arg5[%get3A_30] {strides = array<i32>} : memref<2048xf32, #tpu.memory_space<vmem>>, vector<16xf32>,
      %get3A_32 = vector.shape_cast %get3A_31 : vector<16xf32> to vector<16xf32>
      %get3A_33 = arith.constant 32 : index
      %get3A_34 = tpu.vector_load %arg5[%get3A_33] {strides = array<i32>} : memref<2048xf32, #tpu.memory_space<vmem>>, vector<16xf32>,
      %get3A_35 = vector.shape_cast %get3A_34 : vector<16xf32> to vector<16xf32>
      %get3A_36 = arith.constant 48 : index
      %get3A_37 = tpu.vector_load %arg5[%get3A_36] {strides = array<i32>} : memref<2048xf32, #tpu.memory_space<vmem>>, vector<16xf32>,
      %get3A_38 = vector.shape_cast %get3A_37 : vector<16xf32> to vector<16xf32>
      %get3A_39 = arith.constant 64 : index
      %get3A_40 = tpu.vector_load %arg5[%get3A_39] {strides = array<i32>} : memref<2048xf32, #tpu.memory_space<vmem>>, vector<16xf32>,
      %get3A_41 = vector.shape_cast %get3A_40 : vector<16xf32> to vector<16xf32>
      %get3A_42 = arith.constant 80 : index
      %get3A_43 = tpu.vector_load %arg5[%get3A_42] {strides = array<i32>} : memref<2048xf32, #tpu.memory_space<vmem>>, vector<16xf32>,
      %get3A_44 = vector.shape_cast %get3A_43 : vector<16xf32> to vector<16xf32>
      %get3A_45 = arith.constant 96 : index
      %get3A_46 = tpu.vector_load %arg5[%get3A_45] {strides = array<i32>} : memref<2048xf32, #tpu.memory_space<vmem>>, vector<16xf32>,
      %get3A_47 = vector.shape_cast %get3A_46 : vector<16xf32> to vector<16xf32>
      %get3A_48 = arith.constant 112 : index
      %get3A_49 = tpu.vector_load %arg5[%get3A_48] {strides = array<i32>} : memref<2048xf32, #tpu.memory_space<vmem>>, vector<16xf32>,
      %get3A_50 = vector.shape_cast %get3A_49 : vector<16xf32> to vector<16xf32>
      %get3A_51 = arith.constant 128 : index
      %get3A_52 = tpu.vector_load %arg5[%get3A_51] {strides = array<i32>} : memref<2048xf32, #tpu.memory_space<vmem>>, vector<16xf32>,
      %get3A_53 = vector.shape_cast %get3A_52 : vector<16xf32> to vector<16xf32>
      %get3A_54 = arith.constant 144 : index
      %get3A_55 = tpu.vector_load %arg5[%get3A_54] {strides = array<i32>} : memref<2048xf32, #tpu.memory_space<vmem>>, vector<16xf32>,
      %get3A_56 = vector.shape_cast %get3A_55 : vector<16xf32> to vector<16xf32>
      %get3A_57 = arith.constant 160 : index
      %get3A_58 = tpu.vector_load %arg5[%get3A_57] {strides = array<i32>} : memref<2048xf32, #tpu.memory_space<vmem>>, vector<16xf32>,
      %get3A_59 = vector.shape_cast %get3A_58 : vector<16xf32> to vector<16xf32>
      %get3A_60 = arith.constant 176 : index
      %get3A_61 = tpu.vector_load %arg5[%get3A_60] {strides = array<i32>} : memref<2048xf32, #tpu.memory_space<vmem>>, vector<16xf32>,
      %get3A_62 = vector.shape_cast %get3A_61 : vector<16xf32> to vector<16xf32>
      %get3A_63 = arith.constant 192 : index
      %get3A_64 = tpu.vector_load %arg5[%get3A_63] {strides = array<i32>} : memref<2048xf32, #tpu.memory_space<vmem>>, vector<16xf32>,
      %get3A_65 = vector.shape_cast %get3A_64 : vector<16xf32> to vector<16xf32>
      %get3A_66 = arith.constant 208 : index
      %get3A_67 = tpu.vector_load %arg5[%get3A_66] {strides = array<i32>} : memref<2048xf32, #tpu.memory_space<vmem>>, vector<16xf32>,
      %get3A_68 = vector.shape_cast %get3A_67 : vector<16xf32> to vector<16xf32>
      %get3A_69 = arith.constant 224 : index
      %get3A_70 = tpu.vector_load %arg5[%get3A_69] {strides = array<i32>} : memref<2048xf32, #tpu.memory_space<vmem>>, vector<16xf32>,
      %get3A_71 = vector.shape_cast %get3A_70 : vector<16xf32> to vector<16xf32>
      %get3A_72 = arith.constant 240 : index
      %get3A_73 = tpu.vector_load %arg5[%get3A_72] {strides = array<i32>} : memref<2048xf32, #tpu.memory_space<vmem>>, vector<16xf32>,
      %get3A_74 = vector.shape_cast %get3A_73 : vector<16xf32> to vector<16xf32>
      %scan3A_75 = arith.constant 0 : i32
      %scan3A_76 = arith.constant 0 : i32
      %scan3A_77 = arith.constant 32 : i32
      %scan3A_78 = arith.addi %scan3A_76, %scan3A_77 : i32
      %scan3A_79 = arith.constant 1 : i32
      scf.for %scan3A_459 = %scan3A_76 to %scan3A_78 step %scan3A_79  : i32 {
        %swap3A = arith.index_cast %scan3A_459 : i32 to index
        %swap3A_460 = arith.constant 0 : index
        %swap3A_461 = tpu.vector_load %arg6[%swap3A, %swap3A_460] {strides = array<i32>} : memref<32x2048xf32, #tpu.memory_space<vmem>>, vector<1x16xf32>,
        %swap3A_462 = vector.shape_cast %swap3A_461 : vector<1x16xf32> to vector<16xf32>
        %swap3A_463 = vector.shape_cast %get3A_29 : vector<16xf32> to vector<1x16xf32>
        tpu.vector_store %arg6[%swap3A, %swap3A_460], %swap3A_463 {add = true, strides = array<i32>} : memref<32x2048xf32, #tpu.memory_space<vmem>>, vector<1x16xf32>,
        %swap3A_464 = arith.index_cast %scan3A_459 : i32 to index
        %swap3A_465 = arith.constant 16 : index
        %swap3A_466 = tpu.vector_load %arg6[%swap3A_464, %swap3A_465] {strides = array<i32>} : memref<32x2048xf32, #tpu.memory_space<vmem>>, vector<1x16xf32>,
        %swap3A_467 = vector.shape_cast %swap3A_466 : vector<1x16xf32> to vector<16xf32>
        %swap3A_468 = vector.shape_cast %get3A_32 : vector<16xf32> to vector<1x16xf32>
        tpu.vector_store %arg6[%swap3A_464, %swap3A_465], %swap3A_468 {add = true, strides = array<i32>} : memref<32x2048xf32, #tpu.memory_space<vmem>>, vector<1x16xf32>,
        %swap3A_469 = arith.index_cast %scan3A_459 : i32 to index
        %swap3A_470 = arith.constant 32 : index
        %swap3A_471 = tpu.vector_load %arg6[%swap3A_469, %swap3A_470] {strides = array<i32>} : memref<32x2048xf32, #tpu.memory_space<vmem>>, vector<1x16xf32>,
        %swap3A_472 = vector.shape_cast %swap3A_471 : vector<1x16xf32> to vector<16xf32>
        %swap3A_473 = vector.shape_cast %get3A_35 : vector<16xf32> to vector<1x16xf32>
        tpu.vector_store %arg6[%swap3A_469, %swap3A_470], %swap3A_473 {add = true, strides = array<i32>} : memref<32x2048xf32, #tpu.memory_space<vmem>>, vector<1x16xf32>,
        %swap3A_474 = arith.index_cast %scan3A_459 : i32 to index
        %swap3A_475 = arith.constant 48 : index
        %swap3A_476 = tpu.vector_load %arg6[%swap3A_474, %swap3A_475] {strides = array<i32>} : memref<32x2048xf32, #tpu.memory_space<vmem>>, vector<1x16xf32>,
        %swap3A_477 = vector.shape_cast %swap3A_476 : vector<1x16xf32> to vector<16xf32>
        %swap3A_478 = vector.shape_cast %get3A_38 : vector<16xf32> to vector<1x16xf32>
        tpu.vector_store %arg6[%swap3A_474, %swap3A_475], %swap3A_478 {add = true, strides = array<i32>} : memref<32x2048xf32, #tpu.memory_space<vmem>>, vector<1x16xf32>,
        %swap3A_479 = arith.index_cast %scan3A_459 : i32 to index
        %swap3A_480 = arith.constant 64 : index
        %swap3A_481 = tpu.vector_load %arg6[%swap3A_479, %swap3A_480] {strides = array<i32>} : memref<32x2048xf32, #tpu.memory_space<vmem>>, vector<1x16xf32>,
        %swap3A_482 = vector.shape_cast %swap3A_481 : vector<1x16xf32> to vector<16xf32>
        %swap3A_483 = vector.shape_cast %get3A_41 : vector<16xf32> to vector<1x16xf32>
        tpu.vector_store %arg6[%swap3A_479, %swap3A_480], %swap3A_483 {add = true, strides = array<i32>} : memref<32x2048xf32, #tpu.memory_space<vmem>>, vector<1x16xf32>,
        %swap3A_484 = arith.index_cast %scan3A_459 : i32 to index
        %swap3A_485 = arith.constant 80 : index
        %swap3A_486 = tpu.vector_load %arg6[%swap3A_484, %swap3A_485] {strides = array<i32>} : memref<32x2048xf32, #tpu.memory_space<vmem>>, vector<1x16xf32>,
        %swap3A_487 = vector.shape_cast %swap3A_486 : vector<1x16xf32> to vector<16xf32>
        %swap3A_488 = vector.shape_cast %get3A_44 : vector<16xf32> to vector<1x16xf32>
        tpu.vector_store %arg6[%swap3A_484, %swap3A_485], %swap3A_488 {add = true, strides = array<i32>} : memref<32x2048xf32, #tpu.memory_space<vmem>>, vector<1x16xf32>,
        %swap3A_489 = arith.index_cast %scan3A_459 : i32 to index
        %swap3A_490 = arith.constant 96 : index
        %swap3A_491 = tpu.vector_load %arg6[%swap3A_489, %swap3A_490] {strides = array<i32>} : memref<32x2048xf32, #tpu.memory_space<vmem>>, vector<1x16xf32>,
        %swap3A_492 = vector.shape_cast %swap3A_491 : vector<1x16xf32> to vector<16xf32>
        %swap3A_493 = vector.shape_cast %get3A_47 : vector<16xf32> to vector<1x16xf32>
        tpu.vector_store %arg6[%swap3A_489, %swap3A_490], %swap3A_493 {add = true, strides = array<i32>} : memref<32x2048xf32, #tpu.memory_space<vmem>>, vector<1x16xf32>,
        %swap3A_494 = arith.index_cast %scan3A_459 : i32 to index
        %swap3A_495 = arith.constant 112 : index
        %swap3A_496 = tpu.vector_load %arg6[%swap3A_494, %swap3A_495] {strides = array<i32>} : memref<32x2048xf32, #tpu.memory_space<vmem>>, vector<1x16xf32>,
        %swap3A_497 = vector.shape_cast %swap3A_496 : vector<1x16xf32> to vector<16xf32>
        %swap3A_498 = vector.shape_cast %get3A_50 : vector<16xf32> to vector<1x16xf32>
        tpu.vector_store %arg6[%swap3A_494, %swap3A_495], %swap3A_498 {add = true, strides = array<i32>} : memref<32x2048xf32, #tpu.memory_space<vmem>>, vector<1x16xf32>,
        %swap3A_499 = arith.index_cast %scan3A_459 : i32 to index
        %swap3A_500 = arith.constant 128 : index
        %swap3A_501 = tpu.vector_load %arg6[%swap3A_499, %swap3A_500] {strides = array<i32>} : memref<32x2048xf32, #tpu.memory_space<vmem>>, vector<1x16xf32>,
        %swap3A_502 = vector.shape_cast %swap3A_501 : vector<1x16xf32> to vector<16xf32>
        %swap3A_503 = vector.shape_cast %get3A_53 : vector<16xf32> to vector<1x16xf32>
        tpu.vector_store %arg6[%swap3A_499, %swap3A_500], %swap3A_503 {add = true, strides = array<i32>} : memref<32x2048xf32, #tpu.memory_space<vmem>>, vector<1x16xf32>,
        %swap3A_504 = arith.index_cast %scan3A_459 : i32 to index
        %swap3A_505 = arith.constant 144 : index
        %swap3A_506 = tpu.vector_load %arg6[%swap3A_504, %swap3A_505] {strides = array<i32>} : memref<32x2048xf32, #tpu.memory_space<vmem>>, vector<1x16xf32>,
        %swap3A_507 = vector.shape_cast %swap3A_506 : vector<1x16xf32> to vector<16xf32>
        %swap3A_508 = vector.shape_cast %get3A_56 : vector<16xf32> to vector<1x16xf32>
        tpu.vector_store %arg6[%swap3A_504, %swap3A_505], %swap3A_508 {add = true, strides = array<i32>} : memref<32x2048xf32, #tpu.memory_space<vmem>>, vector<1x16xf32>,
        %swap3A_509 = arith.index_cast %scan3A_459 : i32 to index
        %swap3A_510 = arith.constant 160 : index
        %swap3A_511 = tpu.vector_load %arg6[%swap3A_509, %swap3A_510] {strides = array<i32>} : memref<32x2048xf32, #tpu.memory_space<vmem>>, vector<1x16xf32>,
        %swap3A_512 = vector.shape_cast %swap3A_511 : vector<1x16xf32> to vector<16xf32>
        %swap3A_513 = vector.shape_cast %get3A_59 : vector<16xf32> to vector<1x16xf32>
        tpu.vector_store %arg6[%swap3A_509, %swap3A_510], %swap3A_513 {add = true, strides = array<i32>} : memref<32x2048xf32, #tpu.memory_space<vmem>>, vector<1x16xf32>,
        %swap3A_514 = arith.index_cast %scan3A_459 : i32 to index
        %swap3A_515 = arith.constant 176 : index
        %swap3A_516 = tpu.vector_load %arg6[%swap3A_514, %swap3A_515] {strides = array<i32>} : memref<32x2048xf32, #tpu.memory_space<vmem>>, vector<1x16xf32>,
        %swap3A_517 = vector.shape_cast %swap3A_516 : vector<1x16xf32> to vector<16xf32>
        %swap3A_518 = vector.shape_cast %get3A_62 : vector<16xf32> to vector<1x16xf32>
        tpu.vector_store %arg6[%swap3A_514, %swap3A_515], %swap3A_518 {add = true, strides = array<i32>} : memref<32x2048xf32, #tpu.memory_space<vmem>>, vector<1x16xf32>,
        %swap3A_519 = arith.index_cast %scan3A_459 : i32 to index
        %swap3A_520 = arith.constant 192 : index
        %swap3A_521 = tpu.vector_load %arg6[%swap3A_519, %swap3A_520] {strides = array<i32>} : memref<32x2048xf32, #tpu.memory_space<vmem>>, vector<1x16xf32>,
        %swap3A_522 = vector.shape_cast %swap3A_521 : vector<1x16xf32> to vector<16xf32>
        %swap3A_523 = vector.shape_cast %get3A_65 : vector<16xf32> to vector<1x16xf32>
        tpu.vector_store %arg6[%swap3A_519, %swap3A_520], %swap3A_523 {add = true, strides = array<i32>} : memref<32x2048xf32, #tpu.memory_space<vmem>>, vector<1x16xf32>,
        %swap3A_524 = arith.index_cast %scan3A_459 : i32 to index
        %swap3A_525 = arith.constant 208 : index
        %swap3A_526 = tpu.vector_load %arg6[%swap3A_524, %swap3A_525] {strides = array<i32>} : memref<32x2048xf32, #tpu.memory_space<vmem>>, vector<1x16xf32>,
        %swap3A_527 = vector.shape_cast %swap3A_526 : vector<1x16xf32> to vector<16xf32>
        %swap3A_528 = vector.shape_cast %get3A_68 : vector<16xf32> to vector<1x16xf32>
        tpu.vector_store %arg6[%swap3A_524, %swap3A_525], %swap3A_528 {add = true, strides = array<i32>} : memref<32x2048xf32, #tpu.memory_space<vmem>>, vector<1x16xf32>,
        %swap3A_529 = arith.index_cast %scan3A_459 : i32 to index
        %swap3A_530 = arith.constant 224 : index
        %swap3A_531 = tpu.vector_load %arg6[%swap3A_529, %swap3A_530] {strides = array<i32>} : memref<32x2048xf32, #tpu.memory_space<vmem>>, vector<1x16xf32>,
        %swap3A_532 = vector.shape_cast %swap3A_531 : vector<1x16xf32> to vector<16xf32>
        %swap3A_533 = vector.shape_cast %get3A_71 : vector<16xf32> to vector<1x16xf32>
        tpu.vector_store %arg6[%swap3A_529, %swap3A_530], %swap3A_533 {add = true, strides = array<i32>} : memref<32x2048xf32, #tpu.memory_space<vmem>>, vector<1x16xf32>,
        %swap3A_534 = arith.index_cast %scan3A_459 : i32 to index
        %swap3A_535 = arith.constant 240 : index
        %swap3A_536 = tpu.vector_load %arg6[%swap3A_534, %swap3A_535] {strides = array<i32>} : memref<32x2048xf32, #tpu.memory_space<vmem>>, vector<1x16xf32>,
        %swap3A_537 = vector.shape_cast %swap3A_536 : vector<1x16xf32> to vector<16xf32>
        %swap3A_538 = vector.shape_cast %get3A_74 : vector<16xf32> to vector<1x16xf32>
        tpu.vector_store %arg6[%swap3A_534, %swap3A_535], %swap3A_538 {add = true, strides = array<i32>} : memref<32x2048xf32, #tpu.memory_space<vmem>>, vector<1x16xf32>,
      }
      %scan3A_80 = arith.constant 32 : i32
      %get3A_81 = arith.constant 256 : index
      %get3A_82 = tpu.vector_load %arg5[%get3A_81] {strides = array<i32>} : memref<2048xf32, #tpu.memory_space<vmem>>, vector<16xf32>,
      %get3A_83 = vector.shape_cast %get3A_82 : vector<16xf32> to vector<16xf32>
      %get3A_84 = arith.constant 272 : index
      %get3A_85 = tpu.vector_load %arg5[%get3A_84] {strides = array<i32>} : memref<2048xf32, #tpu.memory_space<vmem>>, vector<16xf32>,
      %get3A_86 = vector.shape_cast %get3A_85 : vector<16xf32> to vector<16xf32>
      %get3A_87 = arith.constant 288 : index
      %get3A_88 = tpu.vector_load %arg5[%get3A_87] {strides = array<i32>} : memref<2048xf32, #tpu.memory_space<vmem>>, vector<16xf32>,
      %get3A_89 = vector.shape_cast %get3A_88 : vector<16xf32> to vector<16xf32>
      %get3A_90 = arith.constant 304 : index
      %get3A_91 = tpu.vector_load %arg5[%get3A_90] {strides = array<i32>} : memref<2048xf32, #tpu.memory_space<vmem>>, vector<16xf32>,
      %get3A_92 = vector.shape_cast %get3A_91 : vector<16xf32> to vector<16xf32>
      %get3A_93 = arith.constant 320 : index
      %get3A_94 = tpu.vector_load %arg5[%get3A_93] {strides = array<i32>} : memref<2048xf32, #tpu.memory_space<vmem>>, vector<16xf32>,
      %get3A_95 = vector.shape_cast %get3A_94 : vector<16xf32> to vector<16xf32>
      %get3A_96 = arith.constant 336 : index
      %get3A_97 = tpu.vector_load %arg5[%get3A_96] {strides = array<i32>} : memref<2048xf32, #tpu.memory_space<vmem>>, vector<16xf32>,
      %get3A_98 = vector.shape_cast %get3A_97 : vector<16xf32> to vector<16xf32>
      %get3A_99 = arith.constant 352 : index
      %get3A_100 = tpu.vector_load %arg5[%get3A_99] {strides = array<i32>} : memref<2048xf32, #tpu.memory_space<vmem>>, vector<16xf32>,
      %get3A_101 = vector.shape_cast %get3A_100 : vector<16xf32> to vector<16xf32>
      %get3A_102 = arith.constant 368 : index
      %get3A_103 = tpu.vector_load %arg5[%get3A_102] {strides = array<i32>} : memref<2048xf32, #tpu.memory_space<vmem>>, vector<16xf32>,
      %get3A_104 = vector.shape_cast %get3A_103 : vector<16xf32> to vector<16xf32>
      %get3A_105 = arith.constant 384 : index
      %get3A_106 = tpu.vector_load %arg5[%get3A_105] {strides = array<i32>} : memref<2048xf32, #tpu.memory_space<vmem>>, vector<16xf32>,
      %get3A_107 = vector.shape_cast %get3A_106 : vector<16xf32> to vector<16xf32>
      %get3A_108 = arith.constant 400 : index
      %get3A_109 = tpu.vector_load %arg5[%get3A_108] {strides = array<i32>} : memref<2048xf32, #tpu.memory_space<vmem>>, vector<16xf32>,
      %get3A_110 = vector.shape_cast %get3A_109 : vector<16xf32> to vector<16xf32>
      %get3A_111 = arith.constant 416 : index
      %get3A_112 = tpu.vector_load %arg5[%get3A_111] {strides = array<i32>} : memref<2048xf32, #tpu.memory_space<vmem>>, vector<16xf32>,
      %get3A_113 = vector.shape_cast %get3A_112 : vector<16xf32> to vector<16xf32>
      %get3A_114 = arith.constant 432 : index
      %get3A_115 = tpu.vector_load %arg5[%get3A_114] {strides = array<i32>} : memref<2048xf32, #tpu.memory_space<vmem>>, vector<16xf32>,
      %get3A_116 = vector.shape_cast %get3A_115 : vector<16xf32> to vector<16xf32>
      %get3A_117 = arith.constant 448 : index
      %get3A_118 = tpu.vector_load %arg5[%get3A_117] {strides = array<i32>} : memref<2048xf32, #tpu.memory_space<vmem>>, vector<16xf32>,
      %get3A_119 = vector.shape_cast %get3A_118 : vector<16xf32> to vector<16xf32>
      %get3A_120 = arith.constant 464 : index
      %get3A_121 = tpu.vector_load %arg5[%get3A_120] {strides = array<i32>} : memref<2048xf32, #tpu.memory_space<vmem>>, vector<16xf32>,
      %get3A_122 = vector.shape_cast %get3A_121 : vector<16xf32> to vector<16xf32>
      %get3A_123 = arith.constant 480 : index
      %get3A_124 = tpu.vector_load %arg5[%get3A_123] {strides = array<i32>} : memref<2048xf32, #tpu.memory_space<vmem>>, vector<16xf32>,
      %get3A_125 = vector.shape_cast %get3A_124 : vector<16xf32> to vector<16xf32>
      %get3A_126 = arith.constant 496 : index
      %get3A_127 = tpu.vector_load %arg5[%get3A_126] {strides = array<i32>} : memref<2048xf32, #tpu.memory_space<vmem>>, vector<16xf32>,
      %get3A_128 = vector.shape_cast %get3A_127 : vector<16xf32> to vector<16xf32>
      %scan3A_129 = arith.constant 0 : i32
      %scan3A_130 = arith.constant 0 : i32
      %scan3A_131 = arith.constant 32 : i32
      %scan3A_132 = arith.addi %scan3A_130, %scan3A_131 : i32
      %scan3A_133 = arith.constant 1 : i32
      scf.for %scan3A_459 = %scan3A_130 to %scan3A_132 step %scan3A_133  : i32 {
        %swap3A = arith.index_cast %scan3A_459 : i32 to index
        %swap3A_460 = arith.constant 256 : index
        %swap3A_461 = tpu.vector_load %arg6[%swap3A, %swap3A_460] {strides = array<i32>} : memref<32x2048xf32, #tpu.memory_space<vmem>>, vector<1x16xf32>,
        %swap3A_462 = vector.shape_cast %swap3A_461 : vector<1x16xf32> to vector<16xf32>
        %swap3A_463 = vector.shape_cast %get3A_83 : vector<16xf32> to vector<1x16xf32>
        tpu.vector_store %arg6[%swap3A, %swap3A_460], %swap3A_463 {add = true, strides = array<i32>} : memref<32x2048xf32, #tpu.memory_space<vmem>>, vector<1x16xf32>,
        %swap3A_464 = arith.index_cast %scan3A_459 : i32 to index
        %swap3A_465 = arith.constant 272 : index
        %swap3A_466 = tpu.vector_load %arg6[%swap3A_464, %swap3A_465] {strides = array<i32>} : memref<32x2048xf32, #tpu.memory_space<vmem>>, vector<1x16xf32>,
        %swap3A_467 = vector.shape_cast %swap3A_466 : vector<1x16xf32> to vector<16xf32>
        %swap3A_468 = vector.shape_cast %get3A_86 : vector<16xf32> to vector<1x16xf32>
        tpu.vector_store %arg6[%swap3A_464, %swap3A_465], %swap3A_468 {add = true, strides = array<i32>} : memref<32x2048xf32, #tpu.memory_space<vmem>>, vector<1x16xf32>,
        %swap3A_469 = arith.index_cast %scan3A_459 : i32 to index
        %swap3A_470 = arith.constant 288 : index
        %swap3A_471 = tpu.vector_load %arg6[%swap3A_469, %swap3A_470] {strides = array<i32>} : memref<32x2048xf32, #tpu.memory_space<vmem>>, vector<1x16xf32>,
        %swap3A_472 = vector.shape_cast %swap3A_471 : vector<1x16xf32> to vector<16xf32>
        %swap3A_473 = vector.shape_cast %get3A_89 : vector<16xf32> to vector<1x16xf32>
        tpu.vector_store %arg6[%swap3A_469, %swap3A_470], %swap3A_473 {add = true, strides = array<i32>} : memref<32x2048xf32, #tpu.memory_space<vmem>>, vector<1x16xf32>,
        %swap3A_474 = arith.index_cast %scan3A_459 : i32 to index
        %swap3A_475 = arith.constant 304 : index
        %swap3A_476 = tpu.vector_load %arg6[%swap3A_474, %swap3A_475] {strides = array<i32>} : memref<32x2048xf32, #tpu.memory_space<vmem>>, vector<1x16xf32>,
        %swap3A_477 = vector.shape_cast %swap3A_476 : vector<1x16xf32> to vector<16xf32>
        %swap3A_478 = vector.shape_cast %get3A_92 : vector<16xf32> to vector<1x16xf32>
        tpu.vector_store %arg6[%swap3A_474, %swap3A_475], %swap3A_478 {add = true, strides = array<i32>} : memref<32x2048xf32, #tpu.memory_space<vmem>>, vector<1x16xf32>,
        %swap3A_479 = arith.index_cast %scan3A_459 : i32 to index
        %swap3A_480 = arith.constant 320 : index
        %swap3A_481 = tpu.vector_load %arg6[%swap3A_479, %swap3A_480] {strides = array<i32>} : memref<32x2048xf32, #tpu.memory_space<vmem>>, vector<1x16xf32>,
        %swap3A_482 = vector.shape_cast %swap3A_481 : vector<1x16xf32> to vector<16xf32>
        %swap3A_483 = vector.shape_cast %get3A_95 : vector<16xf32> to vector<1x16xf32>
        tpu.vector_store %arg6[%swap3A_479, %swap3A_480], %swap3A_483 {add = true, strides = array<i32>} : memref<32x2048xf32, #tpu.memory_space<vmem>>, vector<1x16xf32>,
        %swap3A_484 = arith.index_cast %scan3A_459 : i32 to index
        %swap3A_485 = arith.constant 336 : index
        %swap3A_486 = tpu.vector_load %arg6[%swap3A_484, %swap3A_485] {strides = array<i32>} : memref<32x2048xf32, #tpu.memory_space<vmem>>, vector<1x16xf32>,
        %swap3A_487 = vector.shape_cast %swap3A_486 : vector<1x16xf32> to vector<16xf32>
        %swap3A_488 = vector.shape_cast %get3A_98 : vector<16xf32> to vector<1x16xf32>
        tpu.vector_store %arg6[%swap3A_484, %swap3A_485], %swap3A_488 {add = true, strides = array<i32>} : memref<32x2048xf32, #tpu.memory_space<vmem>>, vector<1x16xf32>,
        %swap3A_489 = arith.index_cast %scan3A_459 : i32 to index
        %swap3A_490 = arith.constant 352 : index
        %swap3A_491 = tpu.vector_load %arg6[%swap3A_489, %swap3A_490] {strides = array<i32>} : memref<32x2048xf32, #tpu.memory_space<vmem>>, vector<1x16xf32>,
        %swap3A_492 = vector.shape_cast %swap3A_491 : vector<1x16xf32> to vector<16xf32>
        %swap3A_493 = vector.shape_cast %get3A_101 : vector<16xf32> to vector<1x16xf32>
        tpu.vector_store %arg6[%swap3A_489, %swap3A_490], %swap3A_493 {add = true, strides = array<i32>} : memref<32x2048xf32, #tpu.memory_space<vmem>>, vector<1x16xf32>,
        %swap3A_494 = arith.index_cast %scan3A_459 : i32 to index
        %swap3A_495 = arith.constant 368 : index
        %swap3A_496 = tpu.vector_load %arg6[%swap3A_494, %swap3A_495] {strides = array<i32>} : memref<32x2048xf32, #tpu.memory_space<vmem>>, vector<1x16xf32>,
        %swap3A_497 = vector.shape_cast %swap3A_496 : vector<1x16xf32> to vector<16xf32>
        %swap3A_498 = vector.shape_cast %get3A_104 : vector<16xf32> to vector<1x16xf32>
        tpu.vector_store %arg6[%swap3A_494, %swap3A_495], %swap3A_498 {add = true, strides = array<i32>} : memref<32x2048xf32, #tpu.memory_space<vmem>>, vector<1x16xf32>,
        %swap3A_499 = arith.index_cast %scan3A_459 : i32 to index
        %swap3A_500 = arith.constant 384 : index
        %swap3A_501 = tpu.vector_load %arg6[%swap3A_499, %swap3A_500] {strides = array<i32>} : memref<32x2048xf32, #tpu.memory_space<vmem>>, vector<1x16xf32>,
        %swap3A_502 = vector.shape_cast %swap3A_501 : vector<1x16xf32> to vector<16xf32>
        %swap3A_503 = vector.shape_cast %get3A_107 : vector<16xf32> to vector<1x16xf32>
        tpu.vector_store %arg6[%swap3A_499, %swap3A_500], %swap3A_503 {add = true, strides = array<i32>} : memref<32x2048xf32, #tpu.memory_space<vmem>>, vector<1x16xf32>,
        %swap3A_504 = arith.index_cast %scan3A_459 : i32 to index
        %swap3A_505 = arith.constant 400 : index
        %swap3A_506 = tpu.vector_load %arg6[%swap3A_504, %swap3A_505] {strides = array<i32>} : memref<32x2048xf32, #tpu.memory_space<vmem>>, vector<1x16xf32>,
        %swap3A_507 = vector.shape_cast %swap3A_506 : vector<1x16xf32> to vector<16xf32>
        %swap3A_508 = vector.shape_cast %get3A_110 : vector<16xf32> to vector<1x16xf32>
        tpu.vector_store %arg6[%swap3A_504, %swap3A_505], %swap3A_508 {add = true, strides = array<i32>} : memref<32x2048xf32, #tpu.memory_space<vmem>>, vector<1x16xf32>,
        %swap3A_509 = arith.index_cast %scan3A_459 : i32 to index
        %swap3A_510 = arith.constant 416 : index
        %swap3A_511 = tpu.vector_load %arg6[%swap3A_509, %swap3A_510] {strides = array<i32>} : memref<32x2048xf32, #tpu.memory_space<vmem>>, vector<1x16xf32>,
        %swap3A_512 = vector.shape_cast %swap3A_511 : vector<1x16xf32> to vector<16xf32>
        %swap3A_513 = vector.shape_cast %get3A_113 : vector<16xf32> to vector<1x16xf32>
        tpu.vector_store %arg6[%swap3A_509, %swap3A_510], %swap3A_513 {add = true, strides = array<i32>} : memref<32x2048xf32, #tpu.memory_space<vmem>>, vector<1x16xf32>,
        %swap3A_514 = arith.index_cast %scan3A_459 : i32 to index
        %swap3A_515 = arith.constant 432 : index
        %swap3A_516 = tpu.vector_load %arg6[%swap3A_514, %swap3A_515] {strides = array<i32>} : memref<32x2048xf32, #tpu.memory_space<vmem>>, vector<1x16xf32>,
        %swap3A_517 = vector.shape_cast %swap3A_516 : vector<1x16xf32> to vector<16xf32>
        %swap3A_518 = vector.shape_cast %get3A_116 : vector<16xf32> to vector<1x16xf32>
        tpu.vector_store %arg6[%swap3A_514, %swap3A_515], %swap3A_518 {add = true, strides = array<i32>} : memref<32x2048xf32, #tpu.memory_space<vmem>>, vector<1x16xf32>,
        %swap3A_519 = arith.index_cast %scan3A_459 : i32 to index
        %swap3A_520 = arith.constant 448 : index
        %swap3A_521 = tpu.vector_load %arg6[%swap3A_519, %swap3A_520] {strides = array<i32>} : memref<32x2048xf32, #tpu.memory_space<vmem>>, vector<1x16xf32>,
        %swap3A_522 = vector.shape_cast %swap3A_521 : vector<1x16xf32> to vector<16xf32>
        %swap3A_523 = vector.shape_cast %get3A_119 : vector<16xf32> to vector<1x16xf32>
        tpu.vector_store %arg6[%swap3A_519, %swap3A_520], %swap3A_523 {add = true, strides = array<i32>} : memref<32x2048xf32, #tpu.memory_space<vmem>>, vector<1x16xf32>,
        %swap3A_524 = arith.index_cast %scan3A_459 : i32 to index
        %swap3A_525 = arith.constant 464 : index
        %swap3A_526 = tpu.vector_load %arg6[%swap3A_524, %swap3A_525] {strides = array<i32>} : memref<32x2048xf32, #tpu.memory_space<vmem>>, vector<1x16xf32>,
        %swap3A_527 = vector.shape_cast %swap3A_526 : vector<1x16xf32> to vector<16xf32>
        %swap3A_528 = vector.shape_cast %get3A_122 : vector<16xf32> to vector<1x16xf32>
        tpu.vector_store %arg6[%swap3A_524, %swap3A_525], %swap3A_528 {add = true, strides = array<i32>} : memref<32x2048xf32, #tpu.memory_space<vmem>>, vector<1x16xf32>,
        %swap3A_529 = arith.index_cast %scan3A_459 : i32 to index
        %swap3A_530 = arith.constant 480 : index
        %swap3A_531 = tpu.vector_load %arg6[%swap3A_529, %swap3A_530] {strides = array<i32>} : memref<32x2048xf32, #tpu.memory_space<vmem>>, vector<1x16xf32>,
        %swap3A_532 = vector.shape_cast %swap3A_531 : vector<1x16xf32> to vector<16xf32>
        %swap3A_533 = vector.shape_cast %get3A_125 : vector<16xf32> to vector<1x16xf32>
        tpu.vector_store %arg6[%swap3A_529, %swap3A_530], %swap3A_533 {add = true, strides = array<i32>} : memref<32x2048xf32, #tpu.memory_space<vmem>>, vector<1x16xf32>,
        %swap3A_534 = arith.index_cast %scan3A_459 : i32 to index
        %swap3A_535 = arith.constant 496 : index
        %swap3A_536 = tpu.vector_load %arg6[%swap3A_534, %swap3A_535] {strides = array<i32>} : memref<32x2048xf32, #tpu.memory_space<vmem>>, vector<1x16xf32>,
        %swap3A_537 = vector.shape_cast %swap3A_536 : vector<1x16xf32> to vector<16xf32>
        %swap3A_538 = vector.shape_cast %get3A_128 : vector<16xf32> to vector<1x16xf32>
        tpu.vector_store %arg6[%swap3A_534, %swap3A_535], %swap3A_538 {add = true, strides = array<i32>} : memref<32x2048xf32, #tpu.memory_space<vmem>>, vector<1x16xf32>,
      }
      %scan3A_134 = arith.constant 32 : i32
      %get3A_135 = arith.constant 512 : index
      %get3A_136 = tpu.vector_load %arg5[%get3A_135] {strides = array<i32>} : memref<2048xf32, #tpu.memory_space<vmem>>, vector<16xf32>,
      %get3A_137 = vector.shape_cast %get3A_136 : vector<16xf32> to vector<16xf32>
      %get3A_138 = arith.constant 528 : index
      %get3A_139 = tpu.vector_load %arg5[%get3A_138] {strides = array<i32>} : memref<2048xf32, #tpu.memory_space<vmem>>, vector<16xf32>,
      %get3A_140 = vector.shape_cast %get3A_139 : vector<16xf32> to vector<16xf32>
      %get3A_141 = arith.constant 544 : index
      %get3A_142 = tpu.vector_load %arg5[%get3A_141] {strides = array<i32>} : memref<2048xf32, #tpu.memory_space<vmem>>, vector<16xf32>,
      %get3A_143 = vector.shape_cast %get3A_142 : vector<16xf32> to vector<16xf32>
      %get3A_144 = arith.constant 560 : index
      %get3A_145 = tpu.vector_load %arg5[%get3A_144] {strides = array<i32>} : memref<2048xf32, #tpu.memory_space<vmem>>, vector<16xf32>,
      %get3A_146 = vector.shape_cast %get3A_145 : vector<16xf32> to vector<16xf32>
      %get3A_147 = arith.constant 576 : index
      %get3A_148 = tpu.vector_load %arg5[%get3A_147] {strides = array<i32>} : memref<2048xf32, #tpu.memory_space<vmem>>, vector<16xf32>,
      %get3A_149 = vector.shape_cast %get3A_148 : vector<16xf32> to vector<16xf32>
      %get3A_150 = arith.constant 592 : index
      %get3A_151 = tpu.vector_load %arg5[%get3A_150] {strides = array<i32>} : memref<2048xf32, #tpu.memory_space<vmem>>, vector<16xf32>,
      %get3A_152 = vector.shape_cast %get3A_151 : vector<16xf32> to vector<16xf32>
      %get3A_153 = arith.constant 608 : index
      %get3A_154 = tpu.vector_load %arg5[%get3A_153] {strides = array<i32>} : memref<2048xf32, #tpu.memory_space<vmem>>, vector<16xf32>,
      %get3A_155 = vector.shape_cast %get3A_154 : vector<16xf32> to vector<16xf32>
      %get3A_156 = arith.constant 624 : index
      %get3A_157 = tpu.vector_load %arg5[%get3A_156] {strides = array<i32>} : memref<2048xf32, #tpu.memory_space<vmem>>, vector<16xf32>,
      %get3A_158 = vector.shape_cast %get3A_157 : vector<16xf32> to vector<16xf32>
      %get3A_159 = arith.constant 640 : index
      %get3A_160 = tpu.vector_load %arg5[%get3A_159] {strides = array<i32>} : memref<2048xf32, #tpu.memory_space<vmem>>, vector<16xf32>,
      %get3A_161 = vector.shape_cast %get3A_160 : vector<16xf32> to vector<16xf32>
      %get3A_162 = arith.constant 656 : index
      %get3A_163 = tpu.vector_load %arg5[%get3A_162] {strides = array<i32>} : memref<2048xf32, #tpu.memory_space<vmem>>, vector<16xf32>,
      %get3A_164 = vector.shape_cast %get3A_163 : vector<16xf32> to vector<16xf32>
      %get3A_165 = arith.constant 672 : index
      %get3A_166 = tpu.vector_load %arg5[%get3A_165] {strides = array<i32>} : memref<2048xf32, #tpu.memory_space<vmem>>, vector<16xf32>,
      %get3A_167 = vector.shape_cast %get3A_166 : vector<16xf32> to vector<16xf32>
      %get3A_168 = arith.constant 688 : index
      %get3A_169 = tpu.vector_load %arg5[%get3A_168] {strides = array<i32>} : memref<2048xf32, #tpu.memory_space<vmem>>, vector<16xf32>,
      %get3A_170 = vector.shape_cast %get3A_169 : vector<16xf32> to vector<16xf32>
      %get3A_171 = arith.constant 704 : index
      %get3A_172 = tpu.vector_load %arg5[%get3A_171] {strides = array<i32>} : memref<2048xf32, #tpu.memory_space<vmem>>, vector<16xf32>,
      %get3A_173 = vector.shape_cast %get3A_172 : vector<16xf32> to vector<16xf32>
      %get3A_174 = arith.constant 720 : index
      %get3A_175 = tpu.vector_load %arg5[%get3A_174] {strides = array<i32>} : memref<2048xf32, #tpu.memory_space<vmem>>, vector<16xf32>,
      %get3A_176 = vector.shape_cast %get3A_175 : vector<16xf32> to vector<16xf32>
      %get3A_177 = arith.constant 736 : index
      %get3A_178 = tpu.vector_load %arg5[%get3A_177] {strides = array<i32>} : memref<2048xf32, #tpu.memory_space<vmem>>, vector<16xf32>,
      %get3A_179 = vector.shape_cast %get3A_178 : vector<16xf32> to vector<16xf32>
      %get3A_180 = arith.constant 752 : index
      %get3A_181 = tpu.vector_load %arg5[%get3A_180] {strides = array<i32>} : memref<2048xf32, #tpu.memory_space<vmem>>, vector<16xf32>,
      %get3A_182 = vector.shape_cast %get3A_181 : vector<16xf32> to vector<16xf32>
      %scan3A_183 = arith.constant 0 : i32
      %scan3A_184 = arith.constant 0 : i32
      %scan3A_185 = arith.constant 32 : i32
      %scan3A_186 = arith.addi %scan3A_184, %scan3A_185 : i32
      %scan3A_187 = arith.constant 1 : i32
      scf.for %scan3A_459 = %scan3A_184 to %scan3A_186 step %scan3A_187  : i32 {
        %swap3A = arith.index_cast %scan3A_459 : i32 to index
        %swap3A_460 = arith.constant 512 : index
        %swap3A_461 = tpu.vector_load %arg6[%swap3A, %swap3A_460] {strides = array<i32>} : memref<32x2048xf32, #tpu.memory_space<vmem>>, vector<1x16xf32>,
        %swap3A_462 = vector.shape_cast %swap3A_461 : vector<1x16xf32> to vector<16xf32>
        %swap3A_463 = vector.shape_cast %get3A_137 : vector<16xf32> to vector<1x16xf32>
        tpu.vector_store %arg6[%swap3A, %swap3A_460], %swap3A_463 {add = true, strides = array<i32>} : memref<32x2048xf32, #tpu.memory_space<vmem>>, vector<1x16xf32>,
        %swap3A_464 = arith.index_cast %scan3A_459 : i32 to index
        %swap3A_465 = arith.constant 528 : index
        %swap3A_466 = tpu.vector_load %arg6[%swap3A_464, %swap3A_465] {strides = array<i32>} : memref<32x2048xf32, #tpu.memory_space<vmem>>, vector<1x16xf32>,
        %swap3A_467 = vector.shape_cast %swap3A_466 : vector<1x16xf32> to vector<16xf32>
        %swap3A_468 = vector.shape_cast %get3A_140 : vector<16xf32> to vector<1x16xf32>
        tpu.vector_store %arg6[%swap3A_464, %swap3A_465], %swap3A_468 {add = true, strides = array<i32>} : memref<32x2048xf32, #tpu.memory_space<vmem>>, vector<1x16xf32>,
        %swap3A_469 = arith.index_cast %scan3A_459 : i32 to index
        %swap3A_470 = arith.constant 544 : index
        %swap3A_471 = tpu.vector_load %arg6[%swap3A_469, %swap3A_470] {strides = array<i32>} : memref<32x2048xf32, #tpu.memory_space<vmem>>, vector<1x16xf32>,
        %swap3A_472 = vector.shape_cast %swap3A_471 : vector<1x16xf32> to vector<16xf32>
        %swap3A_473 = vector.shape_cast %get3A_143 : vector<16xf32> to vector<1x16xf32>
        tpu.vector_store %arg6[%swap3A_469, %swap3A_470], %swap3A_473 {add = true, strides = array<i32>} : memref<32x2048xf32, #tpu.memory_space<vmem>>, vector<1x16xf32>,
        %swap3A_474 = arith.index_cast %scan3A_459 : i32 to index
        %swap3A_475 = arith.constant 560 : index
        %swap3A_476 = tpu.vector_load %arg6[%swap3A_474, %swap3A_475] {strides = array<i32>} : memref<32x2048xf32, #tpu.memory_space<vmem>>, vector<1x16xf32>,
        %swap3A_477 = vector.shape_cast %swap3A_476 : vector<1x16xf32> to vector<16xf32>
        %swap3A_478 = vector.shape_cast %get3A_146 : vector<16xf32> to vector<1x16xf32>
        tpu.vector_store %arg6[%swap3A_474, %swap3A_475], %swap3A_478 {add = true, strides = array<i32>} : memref<32x2048xf32, #tpu.memory_space<vmem>>, vector<1x16xf32>,
        %swap3A_479 = arith.index_cast %scan3A_459 : i32 to index
        %swap3A_480 = arith.constant 576 : index
        %swap3A_481 = tpu.vector_load %arg6[%swap3A_479, %swap3A_480] {strides = array<i32>} : memref<32x2048xf32, #tpu.memory_space<vmem>>, vector<1x16xf32>,
        %swap3A_482 = vector.shape_cast %swap3A_481 : vector<1x16xf32> to vector<16xf32>
        %swap3A_483 = vector.shape_cast %get3A_149 : vector<16xf32> to vector<1x16xf32>
        tpu.vector_store %arg6[%swap3A_479, %swap3A_480], %swap3A_483 {add = true, strides = array<i32>} : memref<32x2048xf32, #tpu.memory_space<vmem>>, vector<1x16xf32>,
        %swap3A_484 = arith.index_cast %scan3A_459 : i32 to index
        %swap3A_485 = arith.constant 592 : index
        %swap3A_486 = tpu.vector_load %arg6[%swap3A_484, %swap3A_485] {strides = array<i32>} : memref<32x2048xf32, #tpu.memory_space<vmem>>, vector<1x16xf32>,
        %swap3A_487 = vector.shape_cast %swap3A_486 : vector<1x16xf32> to vector<16xf32>
        %swap3A_488 = vector.shape_cast %get3A_152 : vector<16xf32> to vector<1x16xf32>
        tpu.vector_store %arg6[%swap3A_484, %swap3A_485], %swap3A_488 {add = true, strides = array<i32>} : memref<32x2048xf32, #tpu.memory_space<vmem>>, vector<1x16xf32>,
        %swap3A_489 = arith.index_cast %scan3A_459 : i32 to index
        %swap3A_490 = arith.constant 608 : index
        %swap3A_491 = tpu.vector_load %arg6[%swap3A_489, %swap3A_490] {strides = array<i32>} : memref<32x2048xf32, #tpu.memory_space<vmem>>, vector<1x16xf32>,
        %swap3A_492 = vector.shape_cast %swap3A_491 : vector<1x16xf32> to vector<16xf32>
        %swap3A_493 = vector.shape_cast %get3A_155 : vector<16xf32> to vector<1x16xf32>
        tpu.vector_store %arg6[%swap3A_489, %swap3A_490], %swap3A_493 {add = true, strides = array<i32>} : memref<32x2048xf32, #tpu.memory_space<vmem>>, vector<1x16xf32>,
        %swap3A_494 = arith.index_cast %scan3A_459 : i32 to index
        %swap3A_495 = arith.constant 624 : index
        %swap3A_496 = tpu.vector_load %arg6[%swap3A_494, %swap3A_495] {strides = array<i32>} : memref<32x2048xf32, #tpu.memory_space<vmem>>, vector<1x16xf32>,
        %swap3A_497 = vector.shape_cast %swap3A_496 : vector<1x16xf32> to vector<16xf32>
        %swap3A_498 = vector.shape_cast %get3A_158 : vector<16xf32> to vector<1x16xf32>
        tpu.vector_store %arg6[%swap3A_494, %swap3A_495], %swap3A_498 {add = true, strides = array<i32>} : memref<32x2048xf32, #tpu.memory_space<vmem>>, vector<1x16xf32>,
        %swap3A_499 = arith.index_cast %scan3A_459 : i32 to index
        %swap3A_500 = arith.constant 640 : index
        %swap3A_501 = tpu.vector_load %arg6[%swap3A_499, %swap3A_500] {strides = array<i32>} : memref<32x2048xf32, #tpu.memory_space<vmem>>, vector<1x16xf32>,
        %swap3A_502 = vector.shape_cast %swap3A_501 : vector<1x16xf32> to vector<16xf32>
        %swap3A_503 = vector.shape_cast %get3A_161 : vector<16xf32> to vector<1x16xf32>
        tpu.vector_store %arg6[%swap3A_499, %swap3A_500], %swap3A_503 {add = true, strides = array<i32>} : memref<32x2048xf32, #tpu.memory_space<vmem>>, vector<1x16xf32>,
        %swap3A_504 = arith.index_cast %scan3A_459 : i32 to index
        %swap3A_505 = arith.constant 656 : index
        %swap3A_506 = tpu.vector_load %arg6[%swap3A_504, %swap3A_505] {strides = array<i32>} : memref<32x2048xf32, #tpu.memory_space<vmem>>, vector<1x16xf32>,
        %swap3A_507 = vector.shape_cast %swap3A_506 : vector<1x16xf32> to vector<16xf32>
        %swap3A_508 = vector.shape_cast %get3A_164 : vector<16xf32> to vector<1x16xf32>
        tpu.vector_store %arg6[%swap3A_504, %swap3A_505], %swap3A_508 {add = true, strides = array<i32>} : memref<32x2048xf32, #tpu.memory_space<vmem>>, vector<1x16xf32>,
        %swap3A_509 = arith.index_cast %scan3A_459 : i32 to index
        %swap3A_510 = arith.constant 672 : index
        %swap3A_511 = tpu.vector_load %arg6[%swap3A_509, %swap3A_510] {strides = array<i32>} : memref<32x2048xf32, #tpu.memory_space<vmem>>, vector<1x16xf32>,
        %swap3A_512 = vector.shape_cast %swap3A_511 : vector<1x16xf32> to vector<16xf32>
        %swap3A_513 = vector.shape_cast %get3A_167 : vector<16xf32> to vector<1x16xf32>
        tpu.vector_store %arg6[%swap3A_509, %swap3A_510], %swap3A_513 {add = true, strides = array<i32>} : memref<32x2048xf32, #tpu.memory_space<vmem>>, vector<1x16xf32>,
        %swap3A_514 = arith.index_cast %scan3A_459 : i32 to index
        %swap3A_515 = arith.constant 688 : index
        %swap3A_516 = tpu.vector_load %arg6[%swap3A_514, %swap3A_515] {strides = array<i32>} : memref<32x2048xf32, #tpu.memory_space<vmem>>, vector<1x16xf32>,
        %swap3A_517 = vector.shape_cast %swap3A_516 : vector<1x16xf32> to vector<16xf32>
        %swap3A_518 = vector.shape_cast %get3A_170 : vector<16xf32> to vector<1x16xf32>
        tpu.vector_store %arg6[%swap3A_514, %swap3A_515], %swap3A_518 {add = true, strides = array<i32>} : memref<32x2048xf32, #tpu.memory_space<vmem>>, vector<1x16xf32>,
        %swap3A_519 = arith.index_cast %scan3A_459 : i32 to index
        %swap3A_520 = arith.constant 704 : index
        %swap3A_521 = tpu.vector_load %arg6[%swap3A_519, %swap3A_520] {strides = array<i32>} : memref<32x2048xf32, #tpu.memory_space<vmem>>, vector<1x16xf32>,
        %swap3A_522 = vector.shape_cast %swap3A_521 : vector<1x16xf32> to vector<16xf32>
        %swap3A_523 = vector.shape_cast %get3A_173 : vector<16xf32> to vector<1x16xf32>
        tpu.vector_store %arg6[%swap3A_519, %swap3A_520], %swap3A_523 {add = true, strides = array<i32>} : memref<32x2048xf32, #tpu.memory_space<vmem>>, vector<1x16xf32>,
        %swap3A_524 = arith.index_cast %scan3A_459 : i32 to index
        %swap3A_525 = arith.constant 720 : index
        %swap3A_526 = tpu.vector_load %arg6[%swap3A_524, %swap3A_525] {strides = array<i32>} : memref<32x2048xf32, #tpu.memory_space<vmem>>, vector<1x16xf32>,
        %swap3A_527 = vector.shape_cast %swap3A_526 : vector<1x16xf32> to vector<16xf32>
        %swap3A_528 = vector.shape_cast %get3A_176 : vector<16xf32> to vector<1x16xf32>
        tpu.vector_store %arg6[%swap3A_524, %swap3A_525], %swap3A_528 {add = true, strides = array<i32>} : memref<32x2048xf32, #tpu.memory_space<vmem>>, vector<1x16xf32>,
        %swap3A_529 = arith.index_cast %scan3A_459 : i32 to index
        %swap3A_530 = arith.constant 736 : index
        %swap3A_531 = tpu.vector_load %arg6[%swap3A_529, %swap3A_530] {strides = array<i32>} : memref<32x2048xf32, #tpu.memory_space<vmem>>, vector<1x16xf32>,
        %swap3A_532 = vector.shape_cast %swap3A_531 : vector<1x16xf32> to vector<16xf32>
        %swap3A_533 = vector.shape_cast %get3A_179 : vector<16xf32> to vector<1x16xf32>
        tpu.vector_store %arg6[%swap3A_529, %swap3A_530], %swap3A_533 {add = true, strides = array<i32>} : memref<32x2048xf32, #tpu.memory_space<vmem>>, vector<1x16xf32>,
        %swap3A_534 = arith.index_cast %scan3A_459 : i32 to index
        %swap3A_535 = arith.constant 752 : index
        %swap3A_536 = tpu.vector_load %arg6[%swap3A_534, %swap3A_535] {strides = array<i32>} : memref<32x2048xf32, #tpu.memory_space<vmem>>, vector<1x16xf32>,
        %swap3A_537 = vector.shape_cast %swap3A_536 : vector<1x16xf32> to vector<16xf32>
        %swap3A_538 = vector.shape_cast %get3A_182 : vector<16xf32> to vector<1x16xf32>
        tpu.vector_store %arg6[%swap3A_534, %swap3A_535], %swap3A_538 {add = true, strides = array<i32>} : memref<32x2048xf32, #tpu.memory_space<vmem>>, vector<1x16xf32>,
      }
      %scan3A_188 = arith.constant 32 : i32
      %get3A_189 = arith.constant 768 : index
      %get3A_190 = tpu.vector_load %arg5[%get3A_189] {strides = array<i32>} : memref<2048xf32, #tpu.memory_space<vmem>>, vector<16xf32>,
      %get3A_191 = vector.shape_cast %get3A_190 : vector<16xf32> to vector<16xf32>
      %get3A_192 = arith.constant 784 : index
      %get3A_193 = tpu.vector_load %arg5[%get3A_192] {strides = array<i32>} : memref<2048xf32, #tpu.memory_space<vmem>>, vector<16xf32>,
      %get3A_194 = vector.shape_cast %get3A_193 : vector<16xf32> to vector<16xf32>
      %get3A_195 = arith.constant 800 : index
      %get3A_196 = tpu.vector_load %arg5[%get3A_195] {strides = array<i32>} : memref<2048xf32, #tpu.memory_space<vmem>>, vector<16xf32>,
      %get3A_197 = vector.shape_cast %get3A_196 : vector<16xf32> to vector<16xf32>
      %get3A_198 = arith.constant 816 : index
      %get3A_199 = tpu.vector_load %arg5[%get3A_198] {strides = array<i32>} : memref<2048xf32, #tpu.memory_space<vmem>>, vector<16xf32>,
      %get3A_200 = vector.shape_cast %get3A_199 : vector<16xf32> to vector<16xf32>
      %get3A_201 = arith.constant 832 : index
      %get3A_202 = tpu.vector_load %arg5[%get3A_201] {strides = array<i32>} : memref<2048xf32, #tpu.memory_space<vmem>>, vector<16xf32>,
      %get3A_203 = vector.shape_cast %get3A_202 : vector<16xf32> to vector<16xf32>
      %get3A_204 = arith.constant 848 : index
      %get3A_205 = tpu.vector_load %arg5[%get3A_204] {strides = array<i32>} : memref<2048xf32, #tpu.memory_space<vmem>>, vector<16xf32>,
      %get3A_206 = vector.shape_cast %get3A_205 : vector<16xf32> to vector<16xf32>
      %get3A_207 = arith.constant 864 : index
      %get3A_208 = tpu.vector_load %arg5[%get3A_207] {strides = array<i32>} : memref<2048xf32, #tpu.memory_space<vmem>>, vector<16xf32>,
      %get3A_209 = vector.shape_cast %get3A_208 : vector<16xf32> to vector<16xf32>
      %get3A_210 = arith.constant 880 : index
      %get3A_211 = tpu.vector_load %arg5[%get3A_210] {strides = array<i32>} : memref<2048xf32, #tpu.memory_space<vmem>>, vector<16xf32>,
      %get3A_212 = vector.shape_cast %get3A_211 : vector<16xf32> to vector<16xf32>
      %get3A_213 = arith.constant 896 : index
      %get3A_214 = tpu.vector_load %arg5[%get3A_213] {strides = array<i32>} : memref<2048xf32, #tpu.memory_space<vmem>>, vector<16xf32>,
      %get3A_215 = vector.shape_cast %get3A_214 : vector<16xf32> to vector<16xf32>
      %get3A_216 = arith.constant 912 : index
      %get3A_217 = tpu.vector_load %arg5[%get3A_216] {strides = array<i32>} : memref<2048xf32, #tpu.memory_space<vmem>>, vector<16xf32>,
      %get3A_218 = vector.shape_cast %get3A_217 : vector<16xf32> to vector<16xf32>
      %get3A_219 = arith.constant 928 : index
      %get3A_220 = tpu.vector_load %arg5[%get3A_219] {strides = array<i32>} : memref<2048xf32, #tpu.memory_space<vmem>>, vector<16xf32>,
      %get3A_221 = vector.shape_cast %get3A_220 : vector<16xf32> to vector<16xf32>
      %get3A_222 = arith.constant 944 : index
      %get3A_223 = tpu.vector_load %arg5[%get3A_222] {strides = array<i32>} : memref<2048xf32, #tpu.memory_space<vmem>>, vector<16xf32>,
      %get3A_224 = vector.shape_cast %get3A_223 : vector<16xf32> to vector<16xf32>
      %get3A_225 = arith.constant 960 : index
      %get3A_226 = tpu.vector_load %arg5[%get3A_225] {strides = array<i32>} : memref<2048xf32, #tpu.memory_space<vmem>>, vector<16xf32>,
      %get3A_227 = vector.shape_cast %get3A_226 : vector<16xf32> to vector<16xf32>
      %get3A_228 = arith.constant 976 : index
      %get3A_229 = tpu.vector_load %arg5[%get3A_228] {strides = array<i32>} : memref<2048xf32, #tpu.memory_space<vmem>>, vector<16xf32>,
      %get3A_230 = vector.shape_cast %get3A_229 : vector<16xf32> to vector<16xf32>
      %get3A_231 = arith.constant 992 : index
      %get3A_232 = tpu.vector_load %arg5[%get3A_231] {strides = array<i32>} : memref<2048xf32, #tpu.memory_space<vmem>>, vector<16xf32>,
      %get3A_233 = vector.shape_cast %get3A_232 : vector<16xf32> to vector<16xf32>
      %get3A_234 = arith.constant 1008 : index
      %get3A_235 = tpu.vector_load %arg5[%get3A_234] {strides = array<i32>} : memref<2048xf32, #tpu.memory_space<vmem>>, vector<16xf32>,
      %get3A_236 = vector.shape_cast %get3A_235 : vector<16xf32> to vector<16xf32>
      %scan3A_237 = arith.constant 0 : i32
      %scan3A_238 = arith.constant 0 : i32
      %scan3A_239 = arith.constant 32 : i32
      %scan3A_240 = arith.addi %scan3A_238, %scan3A_239 : i32
      %scan3A_241 = arith.constant 1 : i32
      scf.for %scan3A_459 = %scan3A_238 to %scan3A_240 step %scan3A_241  : i32 {
        %swap3A = arith.index_cast %scan3A_459 : i32 to index
        %swap3A_460 = arith.constant 768 : index
        %swap3A_461 = tpu.vector_load %arg6[%swap3A, %swap3A_460] {strides = array<i32>} : memref<32x2048xf32, #tpu.memory_space<vmem>>, vector<1x16xf32>,
        %swap3A_462 = vector.shape_cast %swap3A_461 : vector<1x16xf32> to vector<16xf32>
        %swap3A_463 = vector.shape_cast %get3A_191 : vector<16xf32> to vector<1x16xf32>
        tpu.vector_store %arg6[%swap3A, %swap3A_460], %swap3A_463 {add = true, strides = array<i32>} : memref<32x2048xf32, #tpu.memory_space<vmem>>, vector<1x16xf32>,
        %swap3A_464 = arith.index_cast %scan3A_459 : i32 to index
        %swap3A_465 = arith.constant 784 : index
        %swap3A_466 = tpu.vector_load %arg6[%swap3A_464, %swap3A_465] {strides = array<i32>} : memref<32x2048xf32, #tpu.memory_space<vmem>>, vector<1x16xf32>,
        %swap3A_467 = vector.shape_cast %swap3A_466 : vector<1x16xf32> to vector<16xf32>
        %swap3A_468 = vector.shape_cast %get3A_194 : vector<16xf32> to vector<1x16xf32>
        tpu.vector_store %arg6[%swap3A_464, %swap3A_465], %swap3A_468 {add = true, strides = array<i32>} : memref<32x2048xf32, #tpu.memory_space<vmem>>, vector<1x16xf32>,
        %swap3A_469 = arith.index_cast %scan3A_459 : i32 to index
        %swap3A_470 = arith.constant 800 : index
        %swap3A_471 = tpu.vector_load %arg6[%swap3A_469, %swap3A_470] {strides = array<i32>} : memref<32x2048xf32, #tpu.memory_space<vmem>>, vector<1x16xf32>,
        %swap3A_472 = vector.shape_cast %swap3A_471 : vector<1x16xf32> to vector<16xf32>
        %swap3A_473 = vector.shape_cast %get3A_197 : vector<16xf32> to vector<1x16xf32>
        tpu.vector_store %arg6[%swap3A_469, %swap3A_470], %swap3A_473 {add = true, strides = array<i32>} : memref<32x2048xf32, #tpu.memory_space<vmem>>, vector<1x16xf32>,
        %swap3A_474 = arith.index_cast %scan3A_459 : i32 to index
        %swap3A_475 = arith.constant 816 : index
        %swap3A_476 = tpu.vector_load %arg6[%swap3A_474, %swap3A_475] {strides = array<i32>} : memref<32x2048xf32, #tpu.memory_space<vmem>>, vector<1x16xf32>,
        %swap3A_477 = vector.shape_cast %swap3A_476 : vector<1x16xf32> to vector<16xf32>
        %swap3A_478 = vector.shape_cast %get3A_200 : vector<16xf32> to vector<1x16xf32>
        tpu.vector_store %arg6[%swap3A_474, %swap3A_475], %swap3A_478 {add = true, strides = array<i32>} : memref<32x2048xf32, #tpu.memory_space<vmem>>, vector<1x16xf32>,
        %swap3A_479 = arith.index_cast %scan3A_459 : i32 to index
        %swap3A_480 = arith.constant 832 : index
        %swap3A_481 = tpu.vector_load %arg6[%swap3A_479, %swap3A_480] {strides = array<i32>} : memref<32x2048xf32, #tpu.memory_space<vmem>>, vector<1x16xf32>,
        %swap3A_482 = vector.shape_cast %swap3A_481 : vector<1x16xf32> to vector<16xf32>
        %swap3A_483 = vector.shape_cast %get3A_203 : vector<16xf32> to vector<1x16xf32>
        tpu.vector_store %arg6[%swap3A_479, %swap3A_480], %swap3A_483 {add = true, strides = array<i32>} : memref<32x2048xf32, #tpu.memory_space<vmem>>, vector<1x16xf32>,
        %swap3A_484 = arith.index_cast %scan3A_459 : i32 to index
        %swap3A_485 = arith.constant 848 : index
        %swap3A_486 = tpu.vector_load %arg6[%swap3A_484, %swap3A_485] {strides = array<i32>} : memref<32x2048xf32, #tpu.memory_space<vmem>>, vector<1x16xf32>,
        %swap3A_487 = vector.shape_cast %swap3A_486 : vector<1x16xf32> to vector<16xf32>
        %swap3A_488 = vector.shape_cast %get3A_206 : vector<16xf32> to vector<1x16xf32>
        tpu.vector_store %arg6[%swap3A_484, %swap3A_485], %swap3A_488 {add = true, strides = array<i32>} : memref<32x2048xf32, #tpu.memory_space<vmem>>, vector<1x16xf32>,
        %swap3A_489 = arith.index_cast %scan3A_459 : i32 to index
        %swap3A_490 = arith.constant 864 : index
        %swap3A_491 = tpu.vector_load %arg6[%swap3A_489, %swap3A_490] {strides = array<i32>} : memref<32x2048xf32, #tpu.memory_space<vmem>>, vector<1x16xf32>,
        %swap3A_492 = vector.shape_cast %swap3A_491 : vector<1x16xf32> to vector<16xf32>
        %swap3A_493 = vector.shape_cast %get3A_209 : vector<16xf32> to vector<1x16xf32>
        tpu.vector_store %arg6[%swap3A_489, %swap3A_490], %swap3A_493 {add = true, strides = array<i32>} : memref<32x2048xf32, #tpu.memory_space<vmem>>, vector<1x16xf32>,
        %swap3A_494 = arith.index_cast %scan3A_459 : i32 to index
        %swap3A_495 = arith.constant 880 : index
        %swap3A_496 = tpu.vector_load %arg6[%swap3A_494, %swap3A_495] {strides = array<i32>} : memref<32x2048xf32, #tpu.memory_space<vmem>>, vector<1x16xf32>,
        %swap3A_497 = vector.shape_cast %swap3A_496 : vector<1x16xf32> to vector<16xf32>
        %swap3A_498 = vector.shape_cast %get3A_212 : vector<16xf32> to vector<1x16xf32>
        tpu.vector_store %arg6[%swap3A_494, %swap3A_495], %swap3A_498 {add = true, strides = array<i32>} : memref<32x2048xf32, #tpu.memory_space<vmem>>, vector<1x16xf32>,
        %swap3A_499 = arith.index_cast %scan3A_459 : i32 to index
        %swap3A_500 = arith.constant 896 : index
        %swap3A_501 = tpu.vector_load %arg6[%swap3A_499, %swap3A_500] {strides = array<i32>} : memref<32x2048xf32, #tpu.memory_space<vmem>>, vector<1x16xf32>,
        %swap3A_502 = vector.shape_cast %swap3A_501 : vector<1x16xf32> to vector<16xf32>
        %swap3A_503 = vector.shape_cast %get3A_215 : vector<16xf32> to vector<1x16xf32>
        tpu.vector_store %arg6[%swap3A_499, %swap3A_500], %swap3A_503 {add = true, strides = array<i32>} : memref<32x2048xf32, #tpu.memory_space<vmem>>, vector<1x16xf32>,
        %swap3A_504 = arith.index_cast %scan3A_459 : i32 to index
        %swap3A_505 = arith.constant 912 : index
        %swap3A_506 = tpu.vector_load %arg6[%swap3A_504, %swap3A_505] {strides = array<i32>} : memref<32x2048xf32, #tpu.memory_space<vmem>>, vector<1x16xf32>,
        %swap3A_507 = vector.shape_cast %swap3A_506 : vector<1x16xf32> to vector<16xf32>
        %swap3A_508 = vector.shape_cast %get3A_218 : vector<16xf32> to vector<1x16xf32>
        tpu.vector_store %arg6[%swap3A_504, %swap3A_505], %swap3A_508 {add = true, strides = array<i32>} : memref<32x2048xf32, #tpu.memory_space<vmem>>, vector<1x16xf32>,
        %swap3A_509 = arith.index_cast %scan3A_459 : i32 to index
        %swap3A_510 = arith.constant 928 : index
        %swap3A_511 = tpu.vector_load %arg6[%swap3A_509, %swap3A_510] {strides = array<i32>} : memref<32x2048xf32, #tpu.memory_space<vmem>>, vector<1x16xf32>,
        %swap3A_512 = vector.shape_cast %swap3A_511 : vector<1x16xf32> to vector<16xf32>
        %swap3A_513 = vector.shape_cast %get3A_221 : vector<16xf32> to vector<1x16xf32>
        tpu.vector_store %arg6[%swap3A_509, %swap3A_510], %swap3A_513 {add = true, strides = array<i32>} : memref<32x2048xf32, #tpu.memory_space<vmem>>, vector<1x16xf32>,
        %swap3A_514 = arith.index_cast %scan3A_459 : i32 to index
        %swap3A_515 = arith.constant 944 : index
        %swap3A_516 = tpu.vector_load %arg6[%swap3A_514, %swap3A_515] {strides = array<i32>} : memref<32x2048xf32, #tpu.memory_space<vmem>>, vector<1x16xf32>,
        %swap3A_517 = vector.shape_cast %swap3A_516 : vector<1x16xf32> to vector<16xf32>
        %swap3A_518 = vector.shape_cast %get3A_224 : vector<16xf32> to vector<1x16xf32>
        tpu.vector_store %arg6[%swap3A_514, %swap3A_515], %swap3A_518 {add = true, strides = array<i32>} : memref<32x2048xf32, #tpu.memory_space<vmem>>, vector<1x16xf32>,
        %swap3A_519 = arith.index_cast %scan3A_459 : i32 to index
        %swap3A_520 = arith.constant 960 : index
        %swap3A_521 = tpu.vector_load %arg6[%swap3A_519, %swap3A_520] {strides = array<i32>} : memref<32x2048xf32, #tpu.memory_space<vmem>>, vector<1x16xf32>,
        %swap3A_522 = vector.shape_cast %swap3A_521 : vector<1x16xf32> to vector<16xf32>
        %swap3A_523 = vector.shape_cast %get3A_227 : vector<16xf32> to vector<1x16xf32>
        tpu.vector_store %arg6[%swap3A_519, %swap3A_520], %swap3A_523 {add = true, strides = array<i32>} : memref<32x2048xf32, #tpu.memory_space<vmem>>, vector<1x16xf32>,
        %swap3A_524 = arith.index_cast %scan3A_459 : i32 to index
        %swap3A_525 = arith.constant 976 : index
        %swap3A_526 = tpu.vector_load %arg6[%swap3A_524, %swap3A_525] {strides = array<i32>} : memref<32x2048xf32, #tpu.memory_space<vmem>>, vector<1x16xf32>,
        %swap3A_527 = vector.shape_cast %swap3A_526 : vector<1x16xf32> to vector<16xf32>
        %swap3A_528 = vector.shape_cast %get3A_230 : vector<16xf32> to vector<1x16xf32>
        tpu.vector_store %arg6[%swap3A_524, %swap3A_525], %swap3A_528 {add = true, strides = array<i32>} : memref<32x2048xf32, #tpu.memory_space<vmem>>, vector<1x16xf32>,
        %swap3A_529 = arith.index_cast %scan3A_459 : i32 to index
        %swap3A_530 = arith.constant 992 : index
        %swap3A_531 = tpu.vector_load %arg6[%swap3A_529, %swap3A_530] {strides = array<i32>} : memref<32x2048xf32, #tpu.memory_space<vmem>>, vector<1x16xf32>,
        %swap3A_532 = vector.shape_cast %swap3A_531 : vector<1x16xf32> to vector<16xf32>
        %swap3A_533 = vector.shape_cast %get3A_233 : vector<16xf32> to vector<1x16xf32>
        tpu.vector_store %arg6[%swap3A_529, %swap3A_530], %swap3A_533 {add = true, strides = array<i32>} : memref<32x2048xf32, #tpu.memory_space<vmem>>, vector<1x16xf32>,
        %swap3A_534 = arith.index_cast %scan3A_459 : i32 to index
        %swap3A_535 = arith.constant 1008 : index
        %swap3A_536 = tpu.vector_load %arg6[%swap3A_534, %swap3A_535] {strides = array<i32>} : memref<32x2048xf32, #tpu.memory_space<vmem>>, vector<1x16xf32>,
        %swap3A_537 = vector.shape_cast %swap3A_536 : vector<1x16xf32> to vector<16xf32>
        %swap3A_538 = vector.shape_cast %get3A_236 : vector<16xf32> to vector<1x16xf32>
        tpu.vector_store %arg6[%swap3A_534, %swap3A_535], %swap3A_538 {add = true, strides = array<i32>} : memref<32x2048xf32, #tpu.memory_space<vmem>>, vector<1x16xf32>,
      }
      %scan3A_242 = arith.constant 32 : i32
      %get3A_243 = arith.constant 1024 : index
      %get3A_244 = tpu.vector_load %arg5[%get3A_243] {strides = array<i32>} : memref<2048xf32, #tpu.memory_space<vmem>>, vector<16xf32>,
      %get3A_245 = vector.shape_cast %get3A_244 : vector<16xf32> to vector<16xf32>
      %get3A_246 = arith.constant 1040 : index
      %get3A_247 = tpu.vector_load %arg5[%get3A_246] {strides = array<i32>} : memref<2048xf32, #tpu.memory_space<vmem>>, vector<16xf32>,
      %get3A_248 = vector.shape_cast %get3A_247 : vector<16xf32> to vector<16xf32>
      %get3A_249 = arith.constant 1056 : index
      %get3A_250 = tpu.vector_load %arg5[%get3A_249] {strides = array<i32>} : memref<2048xf32, #tpu.memory_space<vmem>>, vector<16xf32>,
      %get3A_251 = vector.shape_cast %get3A_250 : vector<16xf32> to vector<16xf32>
      %get3A_252 = arith.constant 1072 : index
      %get3A_253 = tpu.vector_load %arg5[%get3A_252] {strides = array<i32>} : memref<2048xf32, #tpu.memory_space<vmem>>, vector<16xf32>,
      %get3A_254 = vector.shape_cast %get3A_253 : vector<16xf32> to vector<16xf32>
      %get3A_255 = arith.constant 1088 : index
      %get3A_256 = tpu.vector_load %arg5[%get3A_255] {strides = array<i32>} : memref<2048xf32, #tpu.memory_space<vmem>>, vector<16xf32>,
      %get3A_257 = vector.shape_cast %get3A_256 : vector<16xf32> to vector<16xf32>
      %get3A_258 = arith.constant 1104 : index
      %get3A_259 = tpu.vector_load %arg5[%get3A_258] {strides = array<i32>} : memref<2048xf32, #tpu.memory_space<vmem>>, vector<16xf32>,
      %get3A_260 = vector.shape_cast %get3A_259 : vector<16xf32> to vector<16xf32>
      %get3A_261 = arith.constant 1120 : index
      %get3A_262 = tpu.vector_load %arg5[%get3A_261] {strides = array<i32>} : memref<2048xf32, #tpu.memory_space<vmem>>, vector<16xf32>,
      %get3A_263 = vector.shape_cast %get3A_262 : vector<16xf32> to vector<16xf32>
      %get3A_264 = arith.constant 1136 : index
      %get3A_265 = tpu.vector_load %arg5[%get3A_264] {strides = array<i32>} : memref<2048xf32, #tpu.memory_space<vmem>>, vector<16xf32>,
      %get3A_266 = vector.shape_cast %get3A_265 : vector<16xf32> to vector<16xf32>
      %get3A_267 = arith.constant 1152 : index
      %get3A_268 = tpu.vector_load %arg5[%get3A_267] {strides = array<i32>} : memref<2048xf32, #tpu.memory_space<vmem>>, vector<16xf32>,
      %get3A_269 = vector.shape_cast %get3A_268 : vector<16xf32> to vector<16xf32>
      %get3A_270 = arith.constant 1168 : index
      %get3A_271 = tpu.vector_load %arg5[%get3A_270] {strides = array<i32>} : memref<2048xf32, #tpu.memory_space<vmem>>, vector<16xf32>,
      %get3A_272 = vector.shape_cast %get3A_271 : vector<16xf32> to vector<16xf32>
      %get3A_273 = arith.constant 1184 : index
      %get3A_274 = tpu.vector_load %arg5[%get3A_273] {strides = array<i32>} : memref<2048xf32, #tpu.memory_space<vmem>>, vector<16xf32>,
      %get3A_275 = vector.shape_cast %get3A_274 : vector<16xf32> to vector<16xf32>
      %get3A_276 = arith.constant 1200 : index
      %get3A_277 = tpu.vector_load %arg5[%get3A_276] {strides = array<i32>} : memref<2048xf32, #tpu.memory_space<vmem>>, vector<16xf32>,
      %get3A_278 = vector.shape_cast %get3A_277 : vector<16xf32> to vector<16xf32>
      %get3A_279 = arith.constant 1216 : index
      %get3A_280 = tpu.vector_load %arg5[%get3A_279] {strides = array<i32>} : memref<2048xf32, #tpu.memory_space<vmem>>, vector<16xf32>,
      %get3A_281 = vector.shape_cast %get3A_280 : vector<16xf32> to vector<16xf32>
      %get3A_282 = arith.constant 1232 : index
      %get3A_283 = tpu.vector_load %arg5[%get3A_282] {strides = array<i32>} : memref<2048xf32, #tpu.memory_space<vmem>>, vector<16xf32>,
      %get3A_284 = vector.shape_cast %get3A_283 : vector<16xf32> to vector<16xf32>
      %get3A_285 = arith.constant 1248 : index
      %get3A_286 = tpu.vector_load %arg5[%get3A_285] {strides = array<i32>} : memref<2048xf32, #tpu.memory_space<vmem>>, vector<16xf32>,
      %get3A_287 = vector.shape_cast %get3A_286 : vector<16xf32> to vector<16xf32>
      %get3A_288 = arith.constant 1264 : index
      %get3A_289 = tpu.vector_load %arg5[%get3A_288] {strides = array<i32>} : memref<2048xf32, #tpu.memory_space<vmem>>, vector<16xf32>,
      %get3A_290 = vector.shape_cast %get3A_289 : vector<16xf32> to vector<16xf32>
      %scan3A_291 = arith.constant 0 : i32
      %scan3A_292 = arith.constant 0 : i32
      %scan3A_293 = arith.constant 32 : i32
      %scan3A_294 = arith.addi %scan3A_292, %scan3A_293 : i32
      %scan3A_295 = arith.constant 1 : i32
      scf.for %scan3A_459 = %scan3A_292 to %scan3A_294 step %scan3A_295  : i32 {
        %swap3A = arith.index_cast %scan3A_459 : i32 to index
        %swap3A_460 = arith.constant 1024 : index
        %swap3A_461 = tpu.vector_load %arg6[%swap3A, %swap3A_460] {strides = array<i32>} : memref<32x2048xf32, #tpu.memory_space<vmem>>, vector<1x16xf32>,
        %swap3A_462 = vector.shape_cast %swap3A_461 : vector<1x16xf32> to vector<16xf32>
        %swap3A_463 = vector.shape_cast %get3A_245 : vector<16xf32> to vector<1x16xf32>
        tpu.vector_store %arg6[%swap3A, %swap3A_460], %swap3A_463 {add = true, strides = array<i32>} : memref<32x2048xf32, #tpu.memory_space<vmem>>, vector<1x16xf32>,
        %swap3A_464 = arith.index_cast %scan3A_459 : i32 to index
        %swap3A_465 = arith.constant 1040 : index
        %swap3A_466 = tpu.vector_load %arg6[%swap3A_464, %swap3A_465] {strides = array<i32>} : memref<32x2048xf32, #tpu.memory_space<vmem>>, vector<1x16xf32>,
        %swap3A_467 = vector.shape_cast %swap3A_466 : vector<1x16xf32> to vector<16xf32>
        %swap3A_468 = vector.shape_cast %get3A_248 : vector<16xf32> to vector<1x16xf32>
        tpu.vector_store %arg6[%swap3A_464, %swap3A_465], %swap3A_468 {add = true, strides = array<i32>} : memref<32x2048xf32, #tpu.memory_space<vmem>>, vector<1x16xf32>,
        %swap3A_469 = arith.index_cast %scan3A_459 : i32 to index
        %swap3A_470 = arith.constant 1056 : index
        %swap3A_471 = tpu.vector_load %arg6[%swap3A_469, %swap3A_470] {strides = array<i32>} : memref<32x2048xf32, #tpu.memory_space<vmem>>, vector<1x16xf32>,
        %swap3A_472 = vector.shape_cast %swap3A_471 : vector<1x16xf32> to vector<16xf32>
        %swap3A_473 = vector.shape_cast %get3A_251 : vector<16xf32> to vector<1x16xf32>
        tpu.vector_store %arg6[%swap3A_469, %swap3A_470], %swap3A_473 {add = true, strides = array<i32>} : memref<32x2048xf32, #tpu.memory_space<vmem>>, vector<1x16xf32>,
        %swap3A_474 = arith.index_cast %scan3A_459 : i32 to index
        %swap3A_475 = arith.constant 1072 : index
        %swap3A_476 = tpu.vector_load %arg6[%swap3A_474, %swap3A_475] {strides = array<i32>} : memref<32x2048xf32, #tpu.memory_space<vmem>>, vector<1x16xf32>,
        %swap3A_477 = vector.shape_cast %swap3A_476 : vector<1x16xf32> to vector<16xf32>
        %swap3A_478 = vector.shape_cast %get3A_254 : vector<16xf32> to vector<1x16xf32>
        tpu.vector_store %arg6[%swap3A_474, %swap3A_475], %swap3A_478 {add = true, strides = array<i32>} : memref<32x2048xf32, #tpu.memory_space<vmem>>, vector<1x16xf32>,
        %swap3A_479 = arith.index_cast %scan3A_459 : i32 to index
        %swap3A_480 = arith.constant 1088 : index
        %swap3A_481 = tpu.vector_load %arg6[%swap3A_479, %swap3A_480] {strides = array<i32>} : memref<32x2048xf32, #tpu.memory_space<vmem>>, vector<1x16xf32>,
        %swap3A_482 = vector.shape_cast %swap3A_481 : vector<1x16xf32> to vector<16xf32>
        %swap3A_483 = vector.shape_cast %get3A_257 : vector<16xf32> to vector<1x16xf32>
        tpu.vector_store %arg6[%swap3A_479, %swap3A_480], %swap3A_483 {add = true, strides = array<i32>} : memref<32x2048xf32, #tpu.memory_space<vmem>>, vector<1x16xf32>,
        %swap3A_484 = arith.index_cast %scan3A_459 : i32 to index
        %swap3A_485 = arith.constant 1104 : index
        %swap3A_486 = tpu.vector_load %arg6[%swap3A_484, %swap3A_485] {strides = array<i32>} : memref<32x2048xf32, #tpu.memory_space<vmem>>, vector<1x16xf32>,
        %swap3A_487 = vector.shape_cast %swap3A_486 : vector<1x16xf32> to vector<16xf32>
        %swap3A_488 = vector.shape_cast %get3A_260 : vector<16xf32> to vector<1x16xf32>
        tpu.vector_store %arg6[%swap3A_484, %swap3A_485], %swap3A_488 {add = true, strides = array<i32>} : memref<32x2048xf32, #tpu.memory_space<vmem>>, vector<1x16xf32>,
        %swap3A_489 = arith.index_cast %scan3A_459 : i32 to index
        %swap3A_490 = arith.constant 1120 : index
        %swap3A_491 = tpu.vector_load %arg6[%swap3A_489, %swap3A_490] {strides = array<i32>} : memref<32x2048xf32, #tpu.memory_space<vmem>>, vector<1x16xf32>,
        %swap3A_492 = vector.shape_cast %swap3A_491 : vector<1x16xf32> to vector<16xf32>
        %swap3A_493 = vector.shape_cast %get3A_263 : vector<16xf32> to vector<1x16xf32>
        tpu.vector_store %arg6[%swap3A_489, %swap3A_490], %swap3A_493 {add = true, strides = array<i32>} : memref<32x2048xf32, #tpu.memory_space<vmem>>, vector<1x16xf32>,
        %swap3A_494 = arith.index_cast %scan3A_459 : i32 to index
        %swap3A_495 = arith.constant 1136 : index
        %swap3A_496 = tpu.vector_load %arg6[%swap3A_494, %swap3A_495] {strides = array<i32>} : memref<32x2048xf32, #tpu.memory_space<vmem>>, vector<1x16xf32>,
        %swap3A_497 = vector.shape_cast %swap3A_496 : vector<1x16xf32> to vector<16xf32>
        %swap3A_498 = vector.shape_cast %get3A_266 : vector<16xf32> to vector<1x16xf32>
        tpu.vector_store %arg6[%swap3A_494, %swap3A_495], %swap3A_498 {add = true, strides = array<i32>} : memref<32x2048xf32, #tpu.memory_space<vmem>>, vector<1x16xf32>,
        %swap3A_499 = arith.index_cast %scan3A_459 : i32 to index
        %swap3A_500 = arith.constant 1152 : index
        %swap3A_501 = tpu.vector_load %arg6[%swap3A_499, %swap3A_500] {strides = array<i32>} : memref<32x2048xf32, #tpu.memory_space<vmem>>, vector<1x16xf32>,
        %swap3A_502 = vector.shape_cast %swap3A_501 : vector<1x16xf32> to vector<16xf32>
        %swap3A_503 = vector.shape_cast %get3A_269 : vector<16xf32> to vector<1x16xf32>
        tpu.vector_store %arg6[%swap3A_499, %swap3A_500], %swap3A_503 {add = true, strides = array<i32>} : memref<32x2048xf32, #tpu.memory_space<vmem>>, vector<1x16xf32>,
        %swap3A_504 = arith.index_cast %scan3A_459 : i32 to index
        %swap3A_505 = arith.constant 1168 : index
        %swap3A_506 = tpu.vector_load %arg6[%swap3A_504, %swap3A_505] {strides = array<i32>} : memref<32x2048xf32, #tpu.memory_space<vmem>>, vector<1x16xf32>,
        %swap3A_507 = vector.shape_cast %swap3A_506 : vector<1x16xf32> to vector<16xf32>
        %swap3A_508 = vector.shape_cast %get3A_272 : vector<16xf32> to vector<1x16xf32>
        tpu.vector_store %arg6[%swap3A_504, %swap3A_505], %swap3A_508 {add = true, strides = array<i32>} : memref<32x2048xf32, #tpu.memory_space<vmem>>, vector<1x16xf32>,
        %swap3A_509 = arith.index_cast %scan3A_459 : i32 to index
        %swap3A_510 = arith.constant 1184 : index
        %swap3A_511 = tpu.vector_load %arg6[%swap3A_509, %swap3A_510] {strides = array<i32>} : memref<32x2048xf32, #tpu.memory_space<vmem>>, vector<1x16xf32>,
        %swap3A_512 = vector.shape_cast %swap3A_511 : vector<1x16xf32> to vector<16xf32>
        %swap3A_513 = vector.shape_cast %get3A_275 : vector<16xf32> to vector<1x16xf32>
        tpu.vector_store %arg6[%swap3A_509, %swap3A_510], %swap3A_513 {add = true, strides = array<i32>} : memref<32x2048xf32, #tpu.memory_space<vmem>>, vector<1x16xf32>,
        %swap3A_514 = arith.index_cast %scan3A_459 : i32 to index
        %swap3A_515 = arith.constant 1200 : index
        %swap3A_516 = tpu.vector_load %arg6[%swap3A_514, %swap3A_515] {strides = array<i32>} : memref<32x2048xf32, #tpu.memory_space<vmem>>, vector<1x16xf32>,
        %swap3A_517 = vector.shape_cast %swap3A_516 : vector<1x16xf32> to vector<16xf32>
        %swap3A_518 = vector.shape_cast %get3A_278 : vector<16xf32> to vector<1x16xf32>
        tpu.vector_store %arg6[%swap3A_514, %swap3A_515], %swap3A_518 {add = true, strides = array<i32>} : memref<32x2048xf32, #tpu.memory_space<vmem>>, vector<1x16xf32>,
        %swap3A_519 = arith.index_cast %scan3A_459 : i32 to index
        %swap3A_520 = arith.constant 1216 : index
        %swap3A_521 = tpu.vector_load %arg6[%swap3A_519, %swap3A_520] {strides = array<i32>} : memref<32x2048xf32, #tpu.memory_space<vmem>>, vector<1x16xf32>,
        %swap3A_522 = vector.shape_cast %swap3A_521 : vector<1x16xf32> to vector<16xf32>
        %swap3A_523 = vector.shape_cast %get3A_281 : vector<16xf32> to vector<1x16xf32>
        tpu.vector_store %arg6[%swap3A_519, %swap3A_520], %swap3A_523 {add = true, strides = array<i32>} : memref<32x2048xf32, #tpu.memory_space<vmem>>, vector<1x16xf32>,
        %swap3A_524 = arith.index_cast %scan3A_459 : i32 to index
        %swap3A_525 = arith.constant 1232 : index
        %swap3A_526 = tpu.vector_load %arg6[%swap3A_524, %swap3A_525] {strides = array<i32>} : memref<32x2048xf32, #tpu.memory_space<vmem>>, vector<1x16xf32>,
        %swap3A_527 = vector.shape_cast %swap3A_526 : vector<1x16xf32> to vector<16xf32>
        %swap3A_528 = vector.shape_cast %get3A_284 : vector<16xf32> to vector<1x16xf32>
        tpu.vector_store %arg6[%swap3A_524, %swap3A_525], %swap3A_528 {add = true, strides = array<i32>} : memref<32x2048xf32, #tpu.memory_space<vmem>>, vector<1x16xf32>,
        %swap3A_529 = arith.index_cast %scan3A_459 : i32 to index
        %swap3A_530 = arith.constant 1248 : index
        %swap3A_531 = tpu.vector_load %arg6[%swap3A_529, %swap3A_530] {strides = array<i32>} : memref<32x2048xf32, #tpu.memory_space<vmem>>, vector<1x16xf32>,
        %swap3A_532 = vector.shape_cast %swap3A_531 : vector<1x16xf32> to vector<16xf32>
        %swap3A_533 = vector.shape_cast %get3A_287 : vector<16xf32> to vector<1x16xf32>
        tpu.vector_store %arg6[%swap3A_529, %swap3A_530], %swap3A_533 {add = true, strides = array<i32>} : memref<32x2048xf32, #tpu.memory_space<vmem>>, vector<1x16xf32>,
        %swap3A_534 = arith.index_cast %scan3A_459 : i32 to index
        %swap3A_535 = arith.constant 1264 : index
        %swap3A_536 = tpu.vector_load %arg6[%swap3A_534, %swap3A_535] {strides = array<i32>} : memref<32x2048xf32, #tpu.memory_space<vmem>>, vector<1x16xf32>,
        %swap3A_537 = vector.shape_cast %swap3A_536 : vector<1x16xf32> to vector<16xf32>
        %swap3A_538 = vector.shape_cast %get3A_290 : vector<16xf32> to vector<1x16xf32>
        tpu.vector_store %arg6[%swap3A_534, %swap3A_535], %swap3A_538 {add = true, strides = array<i32>} : memref<32x2048xf32, #tpu.memory_space<vmem>>, vector<1x16xf32>,
      }
      %scan3A_296 = arith.constant 32 : i32
      %get3A_297 = arith.constant 1280 : index
      %get3A_298 = tpu.vector_load %arg5[%get3A_297] {strides = array<i32>} : memref<2048xf32, #tpu.memory_space<vmem>>, vector<16xf32>,
      %get3A_299 = vector.shape_cast %get3A_298 : vector<16xf32> to vector<16xf32>
      %get3A_300 = arith.constant 1296 : index
      %get3A_301 = tpu.vector_load %arg5[%get3A_300] {strides = array<i32>} : memref<2048xf32, #tpu.memory_space<vmem>>, vector<16xf32>,
      %get3A_302 = vector.shape_cast %get3A_301 : vector<16xf32> to vector<16xf32>
      %get3A_303 = arith.constant 1312 : index
      %get3A_304 = tpu.vector_load %arg5[%get3A_303] {strides = array<i32>} : memref<2048xf32, #tpu.memory_space<vmem>>, vector<16xf32>,
      %get3A_305 = vector.shape_cast %get3A_304 : vector<16xf32> to vector<16xf32>
      %get3A_306 = arith.constant 1328 : index
      %get3A_307 = tpu.vector_load %arg5[%get3A_306] {strides = array<i32>} : memref<2048xf32, #tpu.memory_space<vmem>>, vector<16xf32>,
      %get3A_308 = vector.shape_cast %get3A_307 : vector<16xf32> to vector<16xf32>
      %get3A_309 = arith.constant 1344 : index
      %get3A_310 = tpu.vector_load %arg5[%get3A_309] {strides = array<i32>} : memref<2048xf32, #tpu.memory_space<vmem>>, vector<16xf32>,
      %get3A_311 = vector.shape_cast %get3A_310 : vector<16xf32> to vector<16xf32>
      %get3A_312 = arith.constant 1360 : index
      %get3A_313 = tpu.vector_load %arg5[%get3A_312] {strides = array<i32>} : memref<2048xf32, #tpu.memory_space<vmem>>, vector<16xf32>,
      %get3A_314 = vector.shape_cast %get3A_313 : vector<16xf32> to vector<16xf32>
      %get3A_315 = arith.constant 1376 : index
      %get3A_316 = tpu.vector_load %arg5[%get3A_315] {strides = array<i32>} : memref<2048xf32, #tpu.memory_space<vmem>>, vector<16xf32>,
      %get3A_317 = vector.shape_cast %get3A_316 : vector<16xf32> to vector<16xf32>
      %get3A_318 = arith.constant 1392 : index
      %get3A_319 = tpu.vector_load %arg5[%get3A_318] {strides = array<i32>} : memref<2048xf32, #tpu.memory_space<vmem>>, vector<16xf32>,
      %get3A_320 = vector.shape_cast %get3A_319 : vector<16xf32> to vector<16xf32>
      %get3A_321 = arith.constant 1408 : index
      %get3A_322 = tpu.vector_load %arg5[%get3A_321] {strides = array<i32>} : memref<2048xf32, #tpu.memory_space<vmem>>, vector<16xf32>,
      %get3A_323 = vector.shape_cast %get3A_322 : vector<16xf32> to vector<16xf32>
      %get3A_324 = arith.constant 1424 : index
      %get3A_325 = tpu.vector_load %arg5[%get3A_324] {strides = array<i32>} : memref<2048xf32, #tpu.memory_space<vmem>>, vector<16xf32>,
      %get3A_326 = vector.shape_cast %get3A_325 : vector<16xf32> to vector<16xf32>
      %get3A_327 = arith.constant 1440 : index
      %get3A_328 = tpu.vector_load %arg5[%get3A_327] {strides = array<i32>} : memref<2048xf32, #tpu.memory_space<vmem>>, vector<16xf32>,
      %get3A_329 = vector.shape_cast %get3A_328 : vector<16xf32> to vector<16xf32>
      %get3A_330 = arith.constant 1456 : index
      %get3A_331 = tpu.vector_load %arg5[%get3A_330] {strides = array<i32>} : memref<2048xf32, #tpu.memory_space<vmem>>, vector<16xf32>,
      %get3A_332 = vector.shape_cast %get3A_331 : vector<16xf32> to vector<16xf32>
      %get3A_333 = arith.constant 1472 : index
      %get3A_334 = tpu.vector_load %arg5[%get3A_333] {strides = array<i32>} : memref<2048xf32, #tpu.memory_space<vmem>>, vector<16xf32>,
      %get3A_335 = vector.shape_cast %get3A_334 : vector<16xf32> to vector<16xf32>
      %get3A_336 = arith.constant 1488 : index
      %get3A_337 = tpu.vector_load %arg5[%get3A_336] {strides = array<i32>} : memref<2048xf32, #tpu.memory_space<vmem>>, vector<16xf32>,
      %get3A_338 = vector.shape_cast %get3A_337 : vector<16xf32> to vector<16xf32>
      %get3A_339 = arith.constant 1504 : index
      %get3A_340 = tpu.vector_load %arg5[%get3A_339] {strides = array<i32>} : memref<2048xf32, #tpu.memory_space<vmem>>, vector<16xf32>,
      %get3A_341 = vector.shape_cast %get3A_340 : vector<16xf32> to vector<16xf32>
      %get3A_342 = arith.constant 1520 : index
      %get3A_343 = tpu.vector_load %arg5[%get3A_342] {strides = array<i32>} : memref<2048xf32, #tpu.memory_space<vmem>>, vector<16xf32>,
      %get3A_344 = vector.shape_cast %get3A_343 : vector<16xf32> to vector<16xf32>
      %scan3A_345 = arith.constant 0 : i32
      %scan3A_346 = arith.constant 0 : i32
      %scan3A_347 = arith.constant 32 : i32
      %scan3A_348 = arith.addi %scan3A_346, %scan3A_347 : i32
      %scan3A_349 = arith.constant 1 : i32
      scf.for %scan3A_459 = %scan3A_346 to %scan3A_348 step %scan3A_349  : i32 {
        %swap3A = arith.index_cast %scan3A_459 : i32 to index
        %swap3A_460 = arith.constant 1280 : index
        %swap3A_461 = tpu.vector_load %arg6[%swap3A, %swap3A_460] {strides = array<i32>} : memref<32x2048xf32, #tpu.memory_space<vmem>>, vector<1x16xf32>,
        %swap3A_462 = vector.shape_cast %swap3A_461 : vector<1x16xf32> to vector<16xf32>
        %swap3A_463 = vector.shape_cast %get3A_299 : vector<16xf32> to vector<1x16xf32>
        tpu.vector_store %arg6[%swap3A, %swap3A_460], %swap3A_463 {add = true, strides = array<i32>} : memref<32x2048xf32, #tpu.memory_space<vmem>>, vector<1x16xf32>,
        %swap3A_464 = arith.index_cast %scan3A_459 : i32 to index
        %swap3A_465 = arith.constant 1296 : index
        %swap3A_466 = tpu.vector_load %arg6[%swap3A_464, %swap3A_465] {strides = array<i32>} : memref<32x2048xf32, #tpu.memory_space<vmem>>, vector<1x16xf32>,
        %swap3A_467 = vector.shape_cast %swap3A_466 : vector<1x16xf32> to vector<16xf32>
        %swap3A_468 = vector.shape_cast %get3A_302 : vector<16xf32> to vector<1x16xf32>
        tpu.vector_store %arg6[%swap3A_464, %swap3A_465], %swap3A_468 {add = true, strides = array<i32>} : memref<32x2048xf32, #tpu.memory_space<vmem>>, vector<1x16xf32>,
        %swap3A_469 = arith.index_cast %scan3A_459 : i32 to index
        %swap3A_470 = arith.constant 1312 : index
        %swap3A_471 = tpu.vector_load %arg6[%swap3A_469, %swap3A_470] {strides = array<i32>} : memref<32x2048xf32, #tpu.memory_space<vmem>>, vector<1x16xf32>,
        %swap3A_472 = vector.shape_cast %swap3A_471 : vector<1x16xf32> to vector<16xf32>
        %swap3A_473 = vector.shape_cast %get3A_305 : vector<16xf32> to vector<1x16xf32>
        tpu.vector_store %arg6[%swap3A_469, %swap3A_470], %swap3A_473 {add = true, strides = array<i32>} : memref<32x2048xf32, #tpu.memory_space<vmem>>, vector<1x16xf32>,
        %swap3A_474 = arith.index_cast %scan3A_459 : i32 to index
        %swap3A_475 = arith.constant 1328 : index
        %swap3A_476 = tpu.vector_load %arg6[%swap3A_474, %swap3A_475] {strides = array<i32>} : memref<32x2048xf32, #tpu.memory_space<vmem>>, vector<1x16xf32>,
        %swap3A_477 = vector.shape_cast %swap3A_476 : vector<1x16xf32> to vector<16xf32>
        %swap3A_478 = vector.shape_cast %get3A_308 : vector<16xf32> to vector<1x16xf32>
        tpu.vector_store %arg6[%swap3A_474, %swap3A_475], %swap3A_478 {add = true, strides = array<i32>} : memref<32x2048xf32, #tpu.memory_space<vmem>>, vector<1x16xf32>,
        %swap3A_479 = arith.index_cast %scan3A_459 : i32 to index
        %swap3A_480 = arith.constant 1344 : index
        %swap3A_481 = tpu.vector_load %arg6[%swap3A_479, %swap3A_480] {strides = array<i32>} : memref<32x2048xf32, #tpu.memory_space<vmem>>, vector<1x16xf32>,
        %swap3A_482 = vector.shape_cast %swap3A_481 : vector<1x16xf32> to vector<16xf32>
        %swap3A_483 = vector.shape_cast %get3A_311 : vector<16xf32> to vector<1x16xf32>
        tpu.vector_store %arg6[%swap3A_479, %swap3A_480], %swap3A_483 {add = true, strides = array<i32>} : memref<32x2048xf32, #tpu.memory_space<vmem>>, vector<1x16xf32>,
        %swap3A_484 = arith.index_cast %scan3A_459 : i32 to index
        %swap3A_485 = arith.constant 1360 : index
        %swap3A_486 = tpu.vector_load %arg6[%swap3A_484, %swap3A_485] {strides = array<i32>} : memref<32x2048xf32, #tpu.memory_space<vmem>>, vector<1x16xf32>,
        %swap3A_487 = vector.shape_cast %swap3A_486 : vector<1x16xf32> to vector<16xf32>
        %swap3A_488 = vector.shape_cast %get3A_314 : vector<16xf32> to vector<1x16xf32>
        tpu.vector_store %arg6[%swap3A_484, %swap3A_485], %swap3A_488 {add = true, strides = array<i32>} : memref<32x2048xf32, #tpu.memory_space<vmem>>, vector<1x16xf32>,
        %swap3A_489 = arith.index_cast %scan3A_459 : i32 to index
        %swap3A_490 = arith.constant 1376 : index
        %swap3A_491 = tpu.vector_load %arg6[%swap3A_489, %swap3A_490] {strides = array<i32>} : memref<32x2048xf32, #tpu.memory_space<vmem>>, vector<1x16xf32>,
        %swap3A_492 = vector.shape_cast %swap3A_491 : vector<1x16xf32> to vector<16xf32>
        %swap3A_493 = vector.shape_cast %get3A_317 : vector<16xf32> to vector<1x16xf32>
        tpu.vector_store %arg6[%swap3A_489, %swap3A_490], %swap3A_493 {add = true, strides = array<i32>} : memref<32x2048xf32, #tpu.memory_space<vmem>>, vector<1x16xf32>,
        %swap3A_494 = arith.index_cast %scan3A_459 : i32 to index
        %swap3A_495 = arith.constant 1392 : index
        %swap3A_496 = tpu.vector_load %arg6[%swap3A_494, %swap3A_495] {strides = array<i32>} : memref<32x2048xf32, #tpu.memory_space<vmem>>, vector<1x16xf32>,
        %swap3A_497 = vector.shape_cast %swap3A_496 : vector<1x16xf32> to vector<16xf32>
        %swap3A_498 = vector.shape_cast %get3A_320 : vector<16xf32> to vector<1x16xf32>
        tpu.vector_store %arg6[%swap3A_494, %swap3A_495], %swap3A_498 {add = true, strides = array<i32>} : memref<32x2048xf32, #tpu.memory_space<vmem>>, vector<1x16xf32>,
        %swap3A_499 = arith.index_cast %scan3A_459 : i32 to index
        %swap3A_500 = arith.constant 1408 : index
        %swap3A_501 = tpu.vector_load %arg6[%swap3A_499, %swap3A_500] {strides = array<i32>} : memref<32x2048xf32, #tpu.memory_space<vmem>>, vector<1x16xf32>,
        %swap3A_502 = vector.shape_cast %swap3A_501 : vector<1x16xf32> to vector<16xf32>
        %swap3A_503 = vector.shape_cast %get3A_323 : vector<16xf32> to vector<1x16xf32>
        tpu.vector_store %arg6[%swap3A_499, %swap3A_500], %swap3A_503 {add = true, strides = array<i32>} : memref<32x2048xf32, #tpu.memory_space<vmem>>, vector<1x16xf32>,
        %swap3A_504 = arith.index_cast %scan3A_459 : i32 to index
        %swap3A_505 = arith.constant 1424 : index
        %swap3A_506 = tpu.vector_load %arg6[%swap3A_504, %swap3A_505] {strides = array<i32>} : memref<32x2048xf32, #tpu.memory_space<vmem>>, vector<1x16xf32>,
        %swap3A_507 = vector.shape_cast %swap3A_506 : vector<1x16xf32> to vector<16xf32>
        %swap3A_508 = vector.shape_cast %get3A_326 : vector<16xf32> to vector<1x16xf32>
        tpu.vector_store %arg6[%swap3A_504, %swap3A_505], %swap3A_508 {add = true, strides = array<i32>} : memref<32x2048xf32, #tpu.memory_space<vmem>>, vector<1x16xf32>,
        %swap3A_509 = arith.index_cast %scan3A_459 : i32 to index
        %swap3A_510 = arith.constant 1440 : index
        %swap3A_511 = tpu.vector_load %arg6[%swap3A_509, %swap3A_510] {strides = array<i32>} : memref<32x2048xf32, #tpu.memory_space<vmem>>, vector<1x16xf32>,
        %swap3A_512 = vector.shape_cast %swap3A_511 : vector<1x16xf32> to vector<16xf32>
        %swap3A_513 = vector.shape_cast %get3A_329 : vector<16xf32> to vector<1x16xf32>
        tpu.vector_store %arg6[%swap3A_509, %swap3A_510], %swap3A_513 {add = true, strides = array<i32>} : memref<32x2048xf32, #tpu.memory_space<vmem>>, vector<1x16xf32>,
        %swap3A_514 = arith.index_cast %scan3A_459 : i32 to index
        %swap3A_515 = arith.constant 1456 : index
        %swap3A_516 = tpu.vector_load %arg6[%swap3A_514, %swap3A_515] {strides = array<i32>} : memref<32x2048xf32, #tpu.memory_space<vmem>>, vector<1x16xf32>,
        %swap3A_517 = vector.shape_cast %swap3A_516 : vector<1x16xf32> to vector<16xf32>
        %swap3A_518 = vector.shape_cast %get3A_332 : vector<16xf32> to vector<1x16xf32>
        tpu.vector_store %arg6[%swap3A_514, %swap3A_515], %swap3A_518 {add = true, strides = array<i32>} : memref<32x2048xf32, #tpu.memory_space<vmem>>, vector<1x16xf32>,
        %swap3A_519 = arith.index_cast %scan3A_459 : i32 to index
        %swap3A_520 = arith.constant 1472 : index
        %swap3A_521 = tpu.vector_load %arg6[%swap3A_519, %swap3A_520] {strides = array<i32>} : memref<32x2048xf32, #tpu.memory_space<vmem>>, vector<1x16xf32>,
        %swap3A_522 = vector.shape_cast %swap3A_521 : vector<1x16xf32> to vector<16xf32>
        %swap3A_523 = vector.shape_cast %get3A_335 : vector<16xf32> to vector<1x16xf32>
        tpu.vector_store %arg6[%swap3A_519, %swap3A_520], %swap3A_523 {add = true, strides = array<i32>} : memref<32x2048xf32, #tpu.memory_space<vmem>>, vector<1x16xf32>,
        %swap3A_524 = arith.index_cast %scan3A_459 : i32 to index
        %swap3A_525 = arith.constant 1488 : index
        %swap3A_526 = tpu.vector_load %arg6[%swap3A_524, %swap3A_525] {strides = array<i32>} : memref<32x2048xf32, #tpu.memory_space<vmem>>, vector<1x16xf32>,
        %swap3A_527 = vector.shape_cast %swap3A_526 : vector<1x16xf32> to vector<16xf32>
        %swap3A_528 = vector.shape_cast %get3A_338 : vector<16xf32> to vector<1x16xf32>
        tpu.vector_store %arg6[%swap3A_524, %swap3A_525], %swap3A_528 {add = true, strides = array<i32>} : memref<32x2048xf32, #tpu.memory_space<vmem>>, vector<1x16xf32>,
        %swap3A_529 = arith.index_cast %scan3A_459 : i32 to index
        %swap3A_530 = arith.constant 1504 : index
        %swap3A_531 = tpu.vector_load %arg6[%swap3A_529, %swap3A_530] {strides = array<i32>} : memref<32x2048xf32, #tpu.memory_space<vmem>>, vector<1x16xf32>,
        %swap3A_532 = vector.shape_cast %swap3A_531 : vector<1x16xf32> to vector<16xf32>
        %swap3A_533 = vector.shape_cast %get3A_341 : vector<16xf32> to vector<1x16xf32>
        tpu.vector_store %arg6[%swap3A_529, %swap3A_530], %swap3A_533 {add = true, strides = array<i32>} : memref<32x2048xf32, #tpu.memory_space<vmem>>, vector<1x16xf32>,
        %swap3A_534 = arith.index_cast %scan3A_459 : i32 to index
        %swap3A_535 = arith.constant 1520 : index
        %swap3A_536 = tpu.vector_load %arg6[%swap3A_534, %swap3A_535] {strides = array<i32>} : memref<32x2048xf32, #tpu.memory_space<vmem>>, vector<1x16xf32>,
        %swap3A_537 = vector.shape_cast %swap3A_536 : vector<1x16xf32> to vector<16xf32>
        %swap3A_538 = vector.shape_cast %get3A_344 : vector<16xf32> to vector<1x16xf32>
        tpu.vector_store %arg6[%swap3A_534, %swap3A_535], %swap3A_538 {add = true, strides = array<i32>} : memref<32x2048xf32, #tpu.memory_space<vmem>>, vector<1x16xf32>,
      }
      %scan3A_350 = arith.constant 32 : i32
      %get3A_351 = arith.constant 1536 : index
      %get3A_352 = tpu.vector_load %arg5[%get3A_351] {strides = array<i32>} : memref<2048xf32, #tpu.memory_space<vmem>>, vector<16xf32>,
      %get3A_353 = vector.shape_cast %get3A_352 : vector<16xf32> to vector<16xf32>
      %get3A_354 = arith.constant 1552 : index
      %get3A_355 = tpu.vector_load %arg5[%get3A_354] {strides = array<i32>} : memref<2048xf32, #tpu.memory_space<vmem>>, vector<16xf32>,
      %get3A_356 = vector.shape_cast %get3A_355 : vector<16xf32> to vector<16xf32>
      %get3A_357 = arith.constant 1568 : index
      %get3A_358 = tpu.vector_load %arg5[%get3A_357] {strides = array<i32>} : memref<2048xf32, #tpu.memory_space<vmem>>, vector<16xf32>,
      %get3A_359 = vector.shape_cast %get3A_358 : vector<16xf32> to vector<16xf32>
      %get3A_360 = arith.constant 1584 : index
      %get3A_361 = tpu.vector_load %arg5[%get3A_360] {strides = array<i32>} : memref<2048xf32, #tpu.memory_space<vmem>>, vector<16xf32>,
      %get3A_362 = vector.shape_cast %get3A_361 : vector<16xf32> to vector<16xf32>
      %get3A_363 = arith.constant 1600 : index
      %get3A_364 = tpu.vector_load %arg5[%get3A_363] {strides = array<i32>} : memref<2048xf32, #tpu.memory_space<vmem>>, vector<16xf32>,
      %get3A_365 = vector.shape_cast %get3A_364 : vector<16xf32> to vector<16xf32>
      %get3A_366 = arith.constant 1616 : index
      %get3A_367 = tpu.vector_load %arg5[%get3A_366] {strides = array<i32>} : memref<2048xf32, #tpu.memory_space<vmem>>, vector<16xf32>,
      %get3A_368 = vector.shape_cast %get3A_367 : vector<16xf32> to vector<16xf32>
      %get3A_369 = arith.constant 1632 : index
      %get3A_370 = tpu.vector_load %arg5[%get3A_369] {strides = array<i32>} : memref<2048xf32, #tpu.memory_space<vmem>>, vector<16xf32>,
      %get3A_371 = vector.shape_cast %get3A_370 : vector<16xf32> to vector<16xf32>
      %get3A_372 = arith.constant 1648 : index
      %get3A_373 = tpu.vector_load %arg5[%get3A_372] {strides = array<i32>} : memref<2048xf32, #tpu.memory_space<vmem>>, vector<16xf32>,
      %get3A_374 = vector.shape_cast %get3A_373 : vector<16xf32> to vector<16xf32>
      %get3A_375 = arith.constant 1664 : index
      %get3A_376 = tpu.vector_load %arg5[%get3A_375] {strides = array<i32>} : memref<2048xf32, #tpu.memory_space<vmem>>, vector<16xf32>,
      %get3A_377 = vector.shape_cast %get3A_376 : vector<16xf32> to vector<16xf32>
      %get3A_378 = arith.constant 1680 : index
      %get3A_379 = tpu.vector_load %arg5[%get3A_378] {strides = array<i32>} : memref<2048xf32, #tpu.memory_space<vmem>>, vector<16xf32>,
      %get3A_380 = vector.shape_cast %get3A_379 : vector<16xf32> to vector<16xf32>
      %get3A_381 = arith.constant 1696 : index
      %get3A_382 = tpu.vector_load %arg5[%get3A_381] {strides = array<i32>} : memref<2048xf32, #tpu.memory_space<vmem>>, vector<16xf32>,
      %get3A_383 = vector.shape_cast %get3A_382 : vector<16xf32> to vector<16xf32>
      %get3A_384 = arith.constant 1712 : index
      %get3A_385 = tpu.vector_load %arg5[%get3A_384] {strides = array<i32>} : memref<2048xf32, #tpu.memory_space<vmem>>, vector<16xf32>,
      %get3A_386 = vector.shape_cast %get3A_385 : vector<16xf32> to vector<16xf32>
      %get3A_387 = arith.constant 1728 : index
      %get3A_388 = tpu.vector_load %arg5[%get3A_387] {strides = array<i32>} : memref<2048xf32, #tpu.memory_space<vmem>>, vector<16xf32>,
      %get3A_389 = vector.shape_cast %get3A_388 : vector<16xf32> to vector<16xf32>
      %get3A_390 = arith.constant 1744 : index
      %get3A_391 = tpu.vector_load %arg5[%get3A_390] {strides = array<i32>} : memref<2048xf32, #tpu.memory_space<vmem>>, vector<16xf32>,
      %get3A_392 = vector.shape_cast %get3A_391 : vector<16xf32> to vector<16xf32>
      %get3A_393 = arith.constant 1760 : index
      %get3A_394 = tpu.vector_load %arg5[%get3A_393] {strides = array<i32>} : memref<2048xf32, #tpu.memory_space<vmem>>, vector<16xf32>,
      %get3A_395 = vector.shape_cast %get3A_394 : vector<16xf32> to vector<16xf32>
      %get3A_396 = arith.constant 1776 : index
      %get3A_397 = tpu.vector_load %arg5[%get3A_396] {strides = array<i32>} : memref<2048xf32, #tpu.memory_space<vmem>>, vector<16xf32>,
      %get3A_398 = vector.shape_cast %get3A_397 : vector<16xf32> to vector<16xf32>
      %scan3A_399 = arith.constant 0 : i32
      %scan3A_400 = arith.constant 0 : i32
      %scan3A_401 = arith.constant 32 : i32
      %scan3A_402 = arith.addi %scan3A_400, %scan3A_401 : i32
      %scan3A_403 = arith.constant 1 : i32
      scf.for %scan3A_459 = %scan3A_400 to %scan3A_402 step %scan3A_403  : i32 {
        %swap3A = arith.index_cast %scan3A_459 : i32 to index
        %swap3A_460 = arith.constant 1536 : index
        %swap3A_461 = tpu.vector_load %arg6[%swap3A, %swap3A_460] {strides = array<i32>} : memref<32x2048xf32, #tpu.memory_space<vmem>>, vector<1x16xf32>,
        %swap3A_462 = vector.shape_cast %swap3A_461 : vector<1x16xf32> to vector<16xf32>
        %swap3A_463 = vector.shape_cast %get3A_353 : vector<16xf32> to vector<1x16xf32>
        tpu.vector_store %arg6[%swap3A, %swap3A_460], %swap3A_463 {add = true, strides = array<i32>} : memref<32x2048xf32, #tpu.memory_space<vmem>>, vector<1x16xf32>,
        %swap3A_464 = arith.index_cast %scan3A_459 : i32 to index
        %swap3A_465 = arith.constant 1552 : index
        %swap3A_466 = tpu.vector_load %arg6[%swap3A_464, %swap3A_465] {strides = array<i32>} : memref<32x2048xf32, #tpu.memory_space<vmem>>, vector<1x16xf32>,
        %swap3A_467 = vector.shape_cast %swap3A_466 : vector<1x16xf32> to vector<16xf32>
        %swap3A_468 = vector.shape_cast %get3A_356 : vector<16xf32> to vector<1x16xf32>
        tpu.vector_store %arg6[%swap3A_464, %swap3A_465], %swap3A_468 {add = true, strides = array<i32>} : memref<32x2048xf32, #tpu.memory_space<vmem>>, vector<1x16xf32>,
        %swap3A_469 = arith.index_cast %scan3A_459 : i32 to index
        %swap3A_470 = arith.constant 1568 : index
        %swap3A_471 = tpu.vector_load %arg6[%swap3A_469, %swap3A_470] {strides = array<i32>} : memref<32x2048xf32, #tpu.memory_space<vmem>>, vector<1x16xf32>,
        %swap3A_472 = vector.shape_cast %swap3A_471 : vector<1x16xf32> to vector<16xf32>
        %swap3A_473 = vector.shape_cast %get3A_359 : vector<16xf32> to vector<1x16xf32>
        tpu.vector_store %arg6[%swap3A_469, %swap3A_470], %swap3A_473 {add = true, strides = array<i32>} : memref<32x2048xf32, #tpu.memory_space<vmem>>, vector<1x16xf32>,
        %swap3A_474 = arith.index_cast %scan3A_459 : i32 to index
        %swap3A_475 = arith.constant 1584 : index
        %swap3A_476 = tpu.vector_load %arg6[%swap3A_474, %swap3A_475] {strides = array<i32>} : memref<32x2048xf32, #tpu.memory_space<vmem>>, vector<1x16xf32>,
        %swap3A_477 = vector.shape_cast %swap3A_476 : vector<1x16xf32> to vector<16xf32>
        %swap3A_478 = vector.shape_cast %get3A_362 : vector<16xf32> to vector<1x16xf32>
        tpu.vector_store %arg6[%swap3A_474, %swap3A_475], %swap3A_478 {add = true, strides = array<i32>} : memref<32x2048xf32, #tpu.memory_space<vmem>>, vector<1x16xf32>,
        %swap3A_479 = arith.index_cast %scan3A_459 : i32 to index
        %swap3A_480 = arith.constant 1600 : index
        %swap3A_481 = tpu.vector_load %arg6[%swap3A_479, %swap3A_480] {strides = array<i32>} : memref<32x2048xf32, #tpu.memory_space<vmem>>, vector<1x16xf32>,
        %swap3A_482 = vector.shape_cast %swap3A_481 : vector<1x16xf32> to vector<16xf32>
        %swap3A_483 = vector.shape_cast %get3A_365 : vector<16xf32> to vector<1x16xf32>
        tpu.vector_store %arg6[%swap3A_479, %swap3A_480], %swap3A_483 {add = true, strides = array<i32>} : memref<32x2048xf32, #tpu.memory_space<vmem>>, vector<1x16xf32>,
        %swap3A_484 = arith.index_cast %scan3A_459 : i32 to index
        %swap3A_485 = arith.constant 1616 : index
        %swap3A_486 = tpu.vector_load %arg6[%swap3A_484, %swap3A_485] {strides = array<i32>} : memref<32x2048xf32, #tpu.memory_space<vmem>>, vector<1x16xf32>,
        %swap3A_487 = vector.shape_cast %swap3A_486 : vector<1x16xf32> to vector<16xf32>
        %swap3A_488 = vector.shape_cast %get3A_368 : vector<16xf32> to vector<1x16xf32>
        tpu.vector_store %arg6[%swap3A_484, %swap3A_485], %swap3A_488 {add = true, strides = array<i32>} : memref<32x2048xf32, #tpu.memory_space<vmem>>, vector<1x16xf32>,
        %swap3A_489 = arith.index_cast %scan3A_459 : i32 to index
        %swap3A_490 = arith.constant 1632 : index
        %swap3A_491 = tpu.vector_load %arg6[%swap3A_489, %swap3A_490] {strides = array<i32>} : memref<32x2048xf32, #tpu.memory_space<vmem>>, vector<1x16xf32>,
        %swap3A_492 = vector.shape_cast %swap3A_491 : vector<1x16xf32> to vector<16xf32>
        %swap3A_493 = vector.shape_cast %get3A_371 : vector<16xf32> to vector<1x16xf32>
        tpu.vector_store %arg6[%swap3A_489, %swap3A_490], %swap3A_493 {add = true, strides = array<i32>} : memref<32x2048xf32, #tpu.memory_space<vmem>>, vector<1x16xf32>,
        %swap3A_494 = arith.index_cast %scan3A_459 : i32 to index
        %swap3A_495 = arith.constant 1648 : index
        %swap3A_496 = tpu.vector_load %arg6[%swap3A_494, %swap3A_495] {strides = array<i32>} : memref<32x2048xf32, #tpu.memory_space<vmem>>, vector<1x16xf32>,
        %swap3A_497 = vector.shape_cast %swap3A_496 : vector<1x16xf32> to vector<16xf32>
        %swap3A_498 = vector.shape_cast %get3A_374 : vector<16xf32> to vector<1x16xf32>
        tpu.vector_store %arg6[%swap3A_494, %swap3A_495], %swap3A_498 {add = true, strides = array<i32>} : memref<32x2048xf32, #tpu.memory_space<vmem>>, vector<1x16xf32>,
        %swap3A_499 = arith.index_cast %scan3A_459 : i32 to index
        %swap3A_500 = arith.constant 1664 : index
        %swap3A_501 = tpu.vector_load %arg6[%swap3A_499, %swap3A_500] {strides = array<i32>} : memref<32x2048xf32, #tpu.memory_space<vmem>>, vector<1x16xf32>,
        %swap3A_502 = vector.shape_cast %swap3A_501 : vector<1x16xf32> to vector<16xf32>
        %swap3A_503 = vector.shape_cast %get3A_377 : vector<16xf32> to vector<1x16xf32>
        tpu.vector_store %arg6[%swap3A_499, %swap3A_500], %swap3A_503 {add = true, strides = array<i32>} : memref<32x2048xf32, #tpu.memory_space<vmem>>, vector<1x16xf32>,
        %swap3A_504 = arith.index_cast %scan3A_459 : i32 to index
        %swap3A_505 = arith.constant 1680 : index
        %swap3A_506 = tpu.vector_load %arg6[%swap3A_504, %swap3A_505] {strides = array<i32>} : memref<32x2048xf32, #tpu.memory_space<vmem>>, vector<1x16xf32>,
        %swap3A_507 = vector.shape_cast %swap3A_506 : vector<1x16xf32> to vector<16xf32>
        %swap3A_508 = vector.shape_cast %get3A_380 : vector<16xf32> to vector<1x16xf32>
        tpu.vector_store %arg6[%swap3A_504, %swap3A_505], %swap3A_508 {add = true, strides = array<i32>} : memref<32x2048xf32, #tpu.memory_space<vmem>>, vector<1x16xf32>,
        %swap3A_509 = arith.index_cast %scan3A_459 : i32 to index
        %swap3A_510 = arith.constant 1696 : index
        %swap3A_511 = tpu.vector_load %arg6[%swap3A_509, %swap3A_510] {strides = array<i32>} : memref<32x2048xf32, #tpu.memory_space<vmem>>, vector<1x16xf32>,
        %swap3A_512 = vector.shape_cast %swap3A_511 : vector<1x16xf32> to vector<16xf32>
        %swap3A_513 = vector.shape_cast %get3A_383 : vector<16xf32> to vector<1x16xf32>
        tpu.vector_store %arg6[%swap3A_509, %swap3A_510], %swap3A_513 {add = true, strides = array<i32>} : memref<32x2048xf32, #tpu.memory_space<vmem>>, vector<1x16xf32>,
        %swap3A_514 = arith.index_cast %scan3A_459 : i32 to index
        %swap3A_515 = arith.constant 1712 : index
        %swap3A_516 = tpu.vector_load %arg6[%swap3A_514, %swap3A_515] {strides = array<i32>} : memref<32x2048xf32, #tpu.memory_space<vmem>>, vector<1x16xf32>,
        %swap3A_517 = vector.shape_cast %swap3A_516 : vector<1x16xf32> to vector<16xf32>
        %swap3A_518 = vector.shape_cast %get3A_386 : vector<16xf32> to vector<1x16xf32>
        tpu.vector_store %arg6[%swap3A_514, %swap3A_515], %swap3A_518 {add = true, strides = array<i32>} : memref<32x2048xf32, #tpu.memory_space<vmem>>, vector<1x16xf32>,
        %swap3A_519 = arith.index_cast %scan3A_459 : i32 to index
        %swap3A_520 = arith.constant 1728 : index
        %swap3A_521 = tpu.vector_load %arg6[%swap3A_519, %swap3A_520] {strides = array<i32>} : memref<32x2048xf32, #tpu.memory_space<vmem>>, vector<1x16xf32>,
        %swap3A_522 = vector.shape_cast %swap3A_521 : vector<1x16xf32> to vector<16xf32>
        %swap3A_523 = vector.shape_cast %get3A_389 : vector<16xf32> to vector<1x16xf32>
        tpu.vector_store %arg6[%swap3A_519, %swap3A_520], %swap3A_523 {add = true, strides = array<i32>} : memref<32x2048xf32, #tpu.memory_space<vmem>>, vector<1x16xf32>,
        %swap3A_524 = arith.index_cast %scan3A_459 : i32 to index
        %swap3A_525 = arith.constant 1744 : index
        %swap3A_526 = tpu.vector_load %arg6[%swap3A_524, %swap3A_525] {strides = array<i32>} : memref<32x2048xf32, #tpu.memory_space<vmem>>, vector<1x16xf32>,
        %swap3A_527 = vector.shape_cast %swap3A_526 : vector<1x16xf32> to vector<16xf32>
        %swap3A_528 = vector.shape_cast %get3A_392 : vector<16xf32> to vector<1x16xf32>
        tpu.vector_store %arg6[%swap3A_524, %swap3A_525], %swap3A_528 {add = true, strides = array<i32>} : memref<32x2048xf32, #tpu.memory_space<vmem>>, vector<1x16xf32>,
        %swap3A_529 = arith.index_cast %scan3A_459 : i32 to index
        %swap3A_530 = arith.constant 1760 : index
        %swap3A_531 = tpu.vector_load %arg6[%swap3A_529, %swap3A_530] {strides = array<i32>} : memref<32x2048xf32, #tpu.memory_space<vmem>>, vector<1x16xf32>,
        %swap3A_532 = vector.shape_cast %swap3A_531 : vector<1x16xf32> to vector<16xf32>
        %swap3A_533 = vector.shape_cast %get3A_395 : vector<16xf32> to vector<1x16xf32>
        tpu.vector_store %arg6[%swap3A_529, %swap3A_530], %swap3A_533 {add = true, strides = array<i32>} : memref<32x2048xf32, #tpu.memory_space<vmem>>, vector<1x16xf32>,
        %swap3A_534 = arith.index_cast %scan3A_459 : i32 to index
        %swap3A_535 = arith.constant 1776 : index
        %swap3A_536 = tpu.vector_load %arg6[%swap3A_534, %swap3A_535] {strides = array<i32>} : memref<32x2048xf32, #tpu.memory_space<vmem>>, vector<1x16xf32>,
        %swap3A_537 = vector.shape_cast %swap3A_536 : vector<1x16xf32> to vector<16xf32>
        %swap3A_538 = vector.shape_cast %get3A_398 : vector<16xf32> to vector<1x16xf32>
        tpu.vector_store %arg6[%swap3A_534, %swap3A_535], %swap3A_538 {add = true, strides = array<i32>} : memref<32x2048xf32, #tpu.memory_space<vmem>>, vector<1x16xf32>,
      }
      %scan3A_404 = arith.constant 32 : i32
      %get3A_405 = arith.constant 1792 : index
      %get3A_406 = tpu.vector_load %arg5[%get3A_405] {strides = array<i32>} : memref<2048xf32, #tpu.memory_space<vmem>>, vector<16xf32>,
      %get3A_407 = vector.shape_cast %get3A_406 : vector<16xf32> to vector<16xf32>
      %get3A_408 = arith.constant 1808 : index
      %get3A_409 = tpu.vector_load %arg5[%get3A_408] {strides = array<i32>} : memref<2048xf32, #tpu.memory_space<vmem>>, vector<16xf32>,
      %get3A_410 = vector.shape_cast %get3A_409 : vector<16xf32> to vector<16xf32>
      %get3A_411 = arith.constant 1824 : index
      %get3A_412 = tpu.vector_load %arg5[%get3A_411] {strides = array<i32>} : memref<2048xf32, #tpu.memory_space<vmem>>, vector<16xf32>,
      %get3A_413 = vector.shape_cast %get3A_412 : vector<16xf32> to vector<16xf32>
      %get3A_414 = arith.constant 1840 : index
      %get3A_415 = tpu.vector_load %arg5[%get3A_414] {strides = array<i32>} : memref<2048xf32, #tpu.memory_space<vmem>>, vector<16xf32>,
      %get3A_416 = vector.shape_cast %get3A_415 : vector<16xf32> to vector<16xf32>
      %get3A_417 = arith.constant 1856 : index
      %get3A_418 = tpu.vector_load %arg5[%get3A_417] {strides = array<i32>} : memref<2048xf32, #tpu.memory_space<vmem>>, vector<16xf32>,
      %get3A_419 = vector.shape_cast %get3A_418 : vector<16xf32> to vector<16xf32>
      %get3A_420 = arith.constant 1872 : index
      %get3A_421 = tpu.vector_load %arg5[%get3A_420] {strides = array<i32>} : memref<2048xf32, #tpu.memory_space<vmem>>, vector<16xf32>,
      %get3A_422 = vector.shape_cast %get3A_421 : vector<16xf32> to vector<16xf32>
      %get3A_423 = arith.constant 1888 : index
      %get3A_424 = tpu.vector_load %arg5[%get3A_423] {strides = array<i32>} : memref<2048xf32, #tpu.memory_space<vmem>>, vector<16xf32>,
      %get3A_425 = vector.shape_cast %get3A_424 : vector<16xf32> to vector<16xf32>
      %get3A_426 = arith.constant 1904 : index
      %get3A_427 = tpu.vector_load %arg5[%get3A_426] {strides = array<i32>} : memref<2048xf32, #tpu.memory_space<vmem>>, vector<16xf32>,
      %get3A_428 = vector.shape_cast %get3A_427 : vector<16xf32> to vector<16xf32>
      %get3A_429 = arith.constant 1920 : index
      %get3A_430 = tpu.vector_load %arg5[%get3A_429] {strides = array<i32>} : memref<2048xf32, #tpu.memory_space<vmem>>, vector<16xf32>,
      %get3A_431 = vector.shape_cast %get3A_430 : vector<16xf32> to vector<16xf32>
      %get3A_432 = arith.constant 1936 : index
      %get3A_433 = tpu.vector_load %arg5[%get3A_432] {strides = array<i32>} : memref<2048xf32, #tpu.memory_space<vmem>>, vector<16xf32>,
      %get3A_434 = vector.shape_cast %get3A_433 : vector<16xf32> to vector<16xf32>
      %get3A_435 = arith.constant 1952 : index
      %get3A_436 = tpu.vector_load %arg5[%get3A_435] {strides = array<i32>} : memref<2048xf32, #tpu.memory_space<vmem>>, vector<16xf32>,
      %get3A_437 = vector.shape_cast %get3A_436 : vector<16xf32> to vector<16xf32>
      %get3A_438 = arith.constant 1968 : index
      %get3A_439 = tpu.vector_load %arg5[%get3A_438] {strides = array<i32>} : memref<2048xf32, #tpu.memory_space<vmem>>, vector<16xf32>,
      %get3A_440 = vector.shape_cast %get3A_439 : vector<16xf32> to vector<16xf32>
      %get3A_441 = arith.constant 1984 : index
      %get3A_442 = tpu.vector_load %arg5[%get3A_441] {strides = array<i32>} : memref<2048xf32, #tpu.memory_space<vmem>>, vector<16xf32>,
      %get3A_443 = vector.shape_cast %get3A_442 : vector<16xf32> to vector<16xf32>
      %get3A_444 = arith.constant 2000 : index
      %get3A_445 = tpu.vector_load %arg5[%get3A_444] {strides = array<i32>} : memref<2048xf32, #tpu.memory_space<vmem>>, vector<16xf32>,
      %get3A_446 = vector.shape_cast %get3A_445 : vector<16xf32> to vector<16xf32>
      %get3A_447 = arith.constant 2016 : index
      %get3A_448 = tpu.vector_load %arg5[%get3A_447] {strides = array<i32>} : memref<2048xf32, #tpu.memory_space<vmem>>, vector<16xf32>,
      %get3A_449 = vector.shape_cast %get3A_448 : vector<16xf32> to vector<16xf32>
      %get3A_450 = arith.constant 2032 : index
      %get3A_451 = tpu.vector_load %arg5[%get3A_450] {strides = array<i32>} : memref<2048xf32, #tpu.memory_space<vmem>>, vector<16xf32>,
      %get3A_452 = vector.shape_cast %get3A_451 : vector<16xf32> to vector<16xf32>
      %scan3A_453 = arith.constant 0 : i32
      %scan3A_454 = arith.constant 0 : i32
      %scan3A_455 = arith.constant 32 : i32
      %scan3A_456 = arith.addi %scan3A_454, %scan3A_455 : i32
      %scan3A_457 = arith.constant 1 : i32
      scf.for %scan3A_459 = %scan3A_454 to %scan3A_456 step %scan3A_457  : i32 {
        %swap3A = arith.index_cast %scan3A_459 : i32 to index
        %swap3A_460 = arith.constant 1792 : index
        %swap3A_461 = tpu.vector_load %arg6[%swap3A, %swap3A_460] {strides = array<i32>} : memref<32x2048xf32, #tpu.memory_space<vmem>>, vector<1x16xf32>,
        %swap3A_462 = vector.shape_cast %swap3A_461 : vector<1x16xf32> to vector<16xf32>
        %swap3A_463 = vector.shape_cast %get3A_407 : vector<16xf32> to vector<1x16xf32>
        tpu.vector_store %arg6[%swap3A, %swap3A_460], %swap3A_463 {add = true, strides = array<i32>} : memref<32x2048xf32, #tpu.memory_space<vmem>>, vector<1x16xf32>,
        %swap3A_464 = arith.index_cast %scan3A_459 : i32 to index
        %swap3A_465 = arith.constant 1808 : index
        %swap3A_466 = tpu.vector_load %arg6[%swap3A_464, %swap3A_465] {strides = array<i32>} : memref<32x2048xf32, #tpu.memory_space<vmem>>, vector<1x16xf32>,
        %swap3A_467 = vector.shape_cast %swap3A_466 : vector<1x16xf32> to vector<16xf32>
        %swap3A_468 = vector.shape_cast %get3A_410 : vector<16xf32> to vector<1x16xf32>
        tpu.vector_store %arg6[%swap3A_464, %swap3A_465], %swap3A_468 {add = true, strides = array<i32>} : memref<32x2048xf32, #tpu.memory_space<vmem>>, vector<1x16xf32>,
        %swap3A_469 = arith.index_cast %scan3A_459 : i32 to index
        %swap3A_470 = arith.constant 1824 : index
        %swap3A_471 = tpu.vector_load %arg6[%swap3A_469, %swap3A_470] {strides = array<i32>} : memref<32x2048xf32, #tpu.memory_space<vmem>>, vector<1x16xf32>,
        %swap3A_472 = vector.shape_cast %swap3A_471 : vector<1x16xf32> to vector<16xf32>
        %swap3A_473 = vector.shape_cast %get3A_413 : vector<16xf32> to vector<1x16xf32>
        tpu.vector_store %arg6[%swap3A_469, %swap3A_470], %swap3A_473 {add = true, strides = array<i32>} : memref<32x2048xf32, #tpu.memory_space<vmem>>, vector<1x16xf32>,
        %swap3A_474 = arith.index_cast %scan3A_459 : i32 to index
        %swap3A_475 = arith.constant 1840 : index
        %swap3A_476 = tpu.vector_load %arg6[%swap3A_474, %swap3A_475] {strides = array<i32>} : memref<32x2048xf32, #tpu.memory_space<vmem>>, vector<1x16xf32>,
        %swap3A_477 = vector.shape_cast %swap3A_476 : vector<1x16xf32> to vector<16xf32>
        %swap3A_478 = vector.shape_cast %get3A_416 : vector<16xf32> to vector<1x16xf32>
        tpu.vector_store %arg6[%swap3A_474, %swap3A_475], %swap3A_478 {add = true, strides = array<i32>} : memref<32x2048xf32, #tpu.memory_space<vmem>>, vector<1x16xf32>,
        %swap3A_479 = arith.index_cast %scan3A_459 : i32 to index
        %swap3A_480 = arith.constant 1856 : index
        %swap3A_481 = tpu.vector_load %arg6[%swap3A_479, %swap3A_480] {strides = array<i32>} : memref<32x2048xf32, #tpu.memory_space<vmem>>, vector<1x16xf32>,
        %swap3A_482 = vector.shape_cast %swap3A_481 : vector<1x16xf32> to vector<16xf32>
        %swap3A_483 = vector.shape_cast %get3A_419 : vector<16xf32> to vector<1x16xf32>
        tpu.vector_store %arg6[%swap3A_479, %swap3A_480], %swap3A_483 {add = true, strides = array<i32>} : memref<32x2048xf32, #tpu.memory_space<vmem>>, vector<1x16xf32>,
        %swap3A_484 = arith.index_cast %scan3A_459 : i32 to index
        %swap3A_485 = arith.constant 1872 : index
        %swap3A_486 = tpu.vector_load %arg6[%swap3A_484, %swap3A_485] {strides = array<i32>} : memref<32x2048xf32, #tpu.memory_space<vmem>>, vector<1x16xf32>,
        %swap3A_487 = vector.shape_cast %swap3A_486 : vector<1x16xf32> to vector<16xf32>
        %swap3A_488 = vector.shape_cast %get3A_422 : vector<16xf32> to vector<1x16xf32>
        tpu.vector_store %arg6[%swap3A_484, %swap3A_485], %swap3A_488 {add = true, strides = array<i32>} : memref<32x2048xf32, #tpu.memory_space<vmem>>, vector<1x16xf32>,
        %swap3A_489 = arith.index_cast %scan3A_459 : i32 to index
        %swap3A_490 = arith.constant 1888 : index
        %swap3A_491 = tpu.vector_load %arg6[%swap3A_489, %swap3A_490] {strides = array<i32>} : memref<32x2048xf32, #tpu.memory_space<vmem>>, vector<1x16xf32>,
        %swap3A_492 = vector.shape_cast %swap3A_491 : vector<1x16xf32> to vector<16xf32>
        %swap3A_493 = vector.shape_cast %get3A_425 : vector<16xf32> to vector<1x16xf32>
        tpu.vector_store %arg6[%swap3A_489, %swap3A_490], %swap3A_493 {add = true, strides = array<i32>} : memref<32x2048xf32, #tpu.memory_space<vmem>>, vector<1x16xf32>,
        %swap3A_494 = arith.index_cast %scan3A_459 : i32 to index
        %swap3A_495 = arith.constant 1904 : index
        %swap3A_496 = tpu.vector_load %arg6[%swap3A_494, %swap3A_495] {strides = array<i32>} : memref<32x2048xf32, #tpu.memory_space<vmem>>, vector<1x16xf32>,
        %swap3A_497 = vector.shape_cast %swap3A_496 : vector<1x16xf32> to vector<16xf32>
        %swap3A_498 = vector.shape_cast %get3A_428 : vector<16xf32> to vector<1x16xf32>
        tpu.vector_store %arg6[%swap3A_494, %swap3A_495], %swap3A_498 {add = true, strides = array<i32>} : memref<32x2048xf32, #tpu.memory_space<vmem>>, vector<1x16xf32>,
        %swap3A_499 = arith.index_cast %scan3A_459 : i32 to index
        %swap3A_500 = arith.constant 1920 : index
        %swap3A_501 = tpu.vector_load %arg6[%swap3A_499, %swap3A_500] {strides = array<i32>} : memref<32x2048xf32, #tpu.memory_space<vmem>>, vector<1x16xf32>,
        %swap3A_502 = vector.shape_cast %swap3A_501 : vector<1x16xf32> to vector<16xf32>
        %swap3A_503 = vector.shape_cast %get3A_431 : vector<16xf32> to vector<1x16xf32>
        tpu.vector_store %arg6[%swap3A_499, %swap3A_500], %swap3A_503 {add = true, strides = array<i32>} : memref<32x2048xf32, #tpu.memory_space<vmem>>, vector<1x16xf32>,
        %swap3A_504 = arith.index_cast %scan3A_459 : i32 to index
        %swap3A_505 = arith.constant 1936 : index
        %swap3A_506 = tpu.vector_load %arg6[%swap3A_504, %swap3A_505] {strides = array<i32>} : memref<32x2048xf32, #tpu.memory_space<vmem>>, vector<1x16xf32>,
        %swap3A_507 = vector.shape_cast %swap3A_506 : vector<1x16xf32> to vector<16xf32>
        %swap3A_508 = vector.shape_cast %get3A_434 : vector<16xf32> to vector<1x16xf32>
        tpu.vector_store %arg6[%swap3A_504, %swap3A_505], %swap3A_508 {add = true, strides = array<i32>} : memref<32x2048xf32, #tpu.memory_space<vmem>>, vector<1x16xf32>,
        %swap3A_509 = arith.index_cast %scan3A_459 : i32 to index
        %swap3A_510 = arith.constant 1952 : index
        %swap3A_511 = tpu.vector_load %arg6[%swap3A_509, %swap3A_510] {strides = array<i32>} : memref<32x2048xf32, #tpu.memory_space<vmem>>, vector<1x16xf32>,
        %swap3A_512 = vector.shape_cast %swap3A_511 : vector<1x16xf32> to vector<16xf32>
        %swap3A_513 = vector.shape_cast %get3A_437 : vector<16xf32> to vector<1x16xf32>
        tpu.vector_store %arg6[%swap3A_509, %swap3A_510], %swap3A_513 {add = true, strides = array<i32>} : memref<32x2048xf32, #tpu.memory_space<vmem>>, vector<1x16xf32>,
        %swap3A_514 = arith.index_cast %scan3A_459 : i32 to index
        %swap3A_515 = arith.constant 1968 : index
        %swap3A_516 = tpu.vector_load %arg6[%swap3A_514, %swap3A_515] {strides = array<i32>} : memref<32x2048xf32, #tpu.memory_space<vmem>>, vector<1x16xf32>,
        %swap3A_517 = vector.shape_cast %swap3A_516 : vector<1x16xf32> to vector<16xf32>
        %swap3A_518 = vector.shape_cast %get3A_440 : vector<16xf32> to vector<1x16xf32>
        tpu.vector_store %arg6[%swap3A_514, %swap3A_515], %swap3A_518 {add = true, strides = array<i32>} : memref<32x2048xf32, #tpu.memory_space<vmem>>, vector<1x16xf32>,
        %swap3A_519 = arith.index_cast %scan3A_459 : i32 to index
        %swap3A_520 = arith.constant 1984 : index
        %swap3A_521 = tpu.vector_load %arg6[%swap3A_519, %swap3A_520] {strides = array<i32>} : memref<32x2048xf32, #tpu.memory_space<vmem>>, vector<1x16xf32>,
        %swap3A_522 = vector.shape_cast %swap3A_521 : vector<1x16xf32> to vector<16xf32>
        %swap3A_523 = vector.shape_cast %get3A_443 : vector<16xf32> to vector<1x16xf32>
        tpu.vector_store %arg6[%swap3A_519, %swap3A_520], %swap3A_523 {add = true, strides = array<i32>} : memref<32x2048xf32, #tpu.memory_space<vmem>>, vector<1x16xf32>,
        %swap3A_524 = arith.index_cast %scan3A_459 : i32 to index
        %swap3A_525 = arith.constant 2000 : index
        %swap3A_526 = tpu.vector_load %arg6[%swap3A_524, %swap3A_525] {strides = array<i32>} : memref<32x2048xf32, #tpu.memory_space<vmem>>, vector<1x16xf32>,
        %swap3A_527 = vector.shape_cast %swap3A_526 : vector<1x16xf32> to vector<16xf32>
        %swap3A_528 = vector.shape_cast %get3A_446 : vector<16xf32> to vector<1x16xf32>
        tpu.vector_store %arg6[%swap3A_524, %swap3A_525], %swap3A_528 {add = true, strides = array<i32>} : memref<32x2048xf32, #tpu.memory_space<vmem>>, vector<1x16xf32>,
        %swap3A_529 = arith.index_cast %scan3A_459 : i32 to index
        %swap3A_530 = arith.constant 2016 : index
        %swap3A_531 = tpu.vector_load %arg6[%swap3A_529, %swap3A_530] {strides = array<i32>} : memref<32x2048xf32, #tpu.memory_space<vmem>>, vector<1x16xf32>,
        %swap3A_532 = vector.shape_cast %swap3A_531 : vector<1x16xf32> to vector<16xf32>
        %swap3A_533 = vector.shape_cast %get3A_449 : vector<16xf32> to vector<1x16xf32>
        tpu.vector_store %arg6[%swap3A_529, %swap3A_530], %swap3A_533 {add = true, strides = array<i32>} : memref<32x2048xf32, #tpu.memory_space<vmem>>, vector<1x16xf32>,
        %swap3A_534 = arith.index_cast %scan3A_459 : i32 to index
        %swap3A_535 = arith.constant 2032 : index
        %swap3A_536 = tpu.vector_load %arg6[%swap3A_534, %swap3A_535] {strides = array<i32>} : memref<32x2048xf32, #tpu.memory_space<vmem>>, vector<1x16xf32>,
        %swap3A_537 = vector.shape_cast %swap3A_536 : vector<1x16xf32> to vector<16xf32>
        %swap3A_538 = vector.shape_cast %get3A_452 : vector<16xf32> to vector<1x16xf32>
        tpu.vector_store %arg6[%swap3A_534, %swap3A_535], %swap3A_538 {add = true, strides = array<i32>} : memref<32x2048xf32, #tpu.memory_space<vmem>>, vector<1x16xf32>,
      }
      %scan3A_458 = arith.constant 32 : i32
      "tpu.region"() ({
        %run_scoped3A = tpu.sem_alloc : memref<!tpu.dma_semaphore, #tpu.memory_space<semaphore_mem>>
        %dma_start3A = arith.constant 0 : i32
        %dma_start3A_459 = tpu.memref_slice %arg4[%add3A_27, %dma_start3A] : memref<16384x2048xf32, #tpu.memory_space<hbm>> -> memref<32x2048xf32, #tpu.memory_space<hbm>>
        %dma_start3A_460 = arith.constant 0 : i32
        %dma_start3A_461 = tpu.memref_slice %arg4[%add3A_27, %dma_start3A_460] : memref<16384x2048xf32, #tpu.memory_space<hbm>> -> memref<32x2048xf32, #tpu.memory_space<hbm>>
        tpu.enqueue_dma source(%arg6 : memref<32x2048xf32, #tpu.memory_space<vmem>>) target(%dma_start3A_461 : memref<32x2048xf32, #tpu.memory_space<hbm>>) target_semaphore(%run_scoped3A : memref<!tpu.dma_semaphore, #tpu.memory_space<semaphore_mem>>)
        %dma_wait3A = arith.constant 0 : i32
        %dma_wait3A_462 = tpu.memref_slice %arg4[%add3A_27, %dma_wait3A] : memref<16384x2048xf32, #tpu.memory_space<hbm>> -> memref<32x2048xf32, #tpu.memory_space<hbm>>
        %dma_wait3A_463 = arith.constant 0 : i32
        %dma_wait3A_464 = tpu.memref_slice %arg4[%add3A_27, %dma_wait3A_463] : memref<16384x2048xf32, #tpu.memory_space<hbm>> -> memref<32x2048xf32, #tpu.memory_space<hbm>>
        tpu.wait_dma2 semaphore(%run_scoped3A : memref<!tpu.dma_semaphore, #tpu.memory_space<semaphore_mem>>) src(%arg6 : memref<32x2048xf32, #tpu.memory_space<vmem>>) dst(%dma_wait3A_464 : memref<32x2048xf32, #tpu.memory_space<hbm>>)
        tpu.yield
      }) : () -> ()
    }
    %scan3A_23 = arith.constant 16 : i32
    return
  }
}

</mosaic_0001>

<sc_bundles>
// kernel: kernel.3.cloned.1.call-start
scs
__scs_entry_jumppad:
0x0: {  	(pc) =	sbr.rel $0x88, $3  }
0x1: {  	(tag) =	ssettag $0x0;
	lr =	simm.s32 $0x1  }
0x2: {  	[smem:$0x3F9F] =	sst lr;
	_ =	strace $0xD0000000  }
0x3: {  	_ = 	snop  }
0x4: {  	_ = 	snop  }
0x5: {  	_ = 	snop  }
0x6: {  	_ = 	snop  }
0x7: {  	_ = 	snop  }
__scs_overlays_trampoline_lowered:
0x8: {  	[smem:$0x3FAE] =	sst s0  }
0x9: {  	[smem:$0x3FAF] =	sst s1  }
0xa: {  	[smem:$0x3FB0] =	sst s2  }
0xb: {  	[smem:$0x3FB1] =	sst s3  }
0xc: {  	[smem:$0x3FB2] =	sst s4  }
0xd: {  	[smem:$0x3FB3] =	sst s5  }
0xe: {  	[smem:$0x3FB4] =	sst s6  }
0xf: {  	[smem:$0x3FB5] =	sst s7  }
0x10: {  	[smem:$0x3FB6] =	sst s8  }
0x11: {  	[smem:$0x3FB7] =	sst s9;
	s0 =	simm.s32 @!p0 $0x0  }
0x12: {  	s1 =	sld [smem:$0x3F9D];
	s0 =	simm.s32 @p0 $0x1  }
0x13: {  	[smem:$0x3FB8] =	sst s0;
	s0 =	simm.s32 @!p1 $0x0  }
0x14: {  	s2 =	sld [smem:$0x3F9C];
	s0 =	simm.s32 @p1 $0x1  }
0x15: {  	[smem:$0x3FB9] =	sst s0;
	s0 =	simm.s32 @!p2 $0x0  }
0x16: {  	s3 =	sld [smem:$0x3FDB];
	s0 =	simm.s32 @p2 $0x1  }
0x17: {  	s4 =	simm.s32 $0x1BF5;
	[smem:$0x3FBB] =	sst s0  }
0x18: {  	s0 =	sld [smem:$0x3F9E];
	_ =	swait.ge [sflag:s4], $0x0  }
0x19: {  	s7 =	sld [smem:$0x3F9F]  }
0x1a: {  	s8 =	sadd.s32 $0xFFFFE003, lr  }
0x1b: {  	s9 =	sadd.s32 $0xFFFFFEF7, lr;
	s5 =	simm.s32 $0xFFFFFFFF;
	p2 =	slt.u32 s8, $0xFFFFF086  }
0x1c: {  	p1 =	slt.u32 s9, $0xF7A;
	s5 =	simm.s32 @!p2 $0x0  }
0x1d: {  	s5 =	simm.s32 @p1 $0x1;
	p0 =	seq.s32 s7, s2  }
0x1e: {  	s7 =	smul.u32 @!p0 $0xF7A, s2;
	p2 =	seq.s32 @!p0 s5, $0x0  }
0x1f: {  	s9 =	smul.u32 $0xF7A, s1;
	s8 =	simm.s32 @!p0 $0x1BF5;
	p2 =	por !p2, p0  }
0x20: {  	[sflag:s8] =	ssyncset.s32 @!p0 $0xFFFFF086;
	s6 =	sadd.s32 @!p0 s3, s7;
	s7 =	simm.s32 @!p0 $0x108  }
0x21: {  	s3 =	sadd.s32 s3, s9;
	s6 =	sadd.s32 @!p0 $0x88, s6;
	s7 =	simm.s32 @p2 $0x1082  }
0x22: {  	[simem:s7], [sflag:s8] =	dma.local @!p0 [hbm:s6], $0xF7A  }
0x23: {  	s9 =	sor.u32 $0xD0000000, s2;
	s6 =	simm.s32 $0x108;
	_ =	swait.ge @!p0 [sflag:s8], $0x0  }
0x24: {  	s3 =	sadd.s32 $0x88, s3;
	s6 =	simm.s32 @!p1 $0x1082;
	[sflag:s4] =	ssyncset.s32 $0xFFFFF086  }
0x25: {  	[simem:s6], [sflag:s4] =	dma.local [hbm:s3], $0xF7A  }
0x26: {  	[smem:$0x3F9F] =	sst s1;
	(tag) =	ssettag s2;
	_ =	strace s9  }
0x27: {  	s1 =	sld [smem:$0x3FAF]  }
0x28: {  	s2 =	sld [smem:$0x3FB0]  }
0x29: {  	s4 =	sld [smem:$0x3FB2]  }
0x2a: {  	p0 =	seq.s32 s5, $0x0;
	s5 =	sld [smem:$0x3FB3]  }
0x2b: {  	s6 =	sld [smem:$0x3FB4]  }
0x2c: {  	s7 =	sld [smem:$0x3FB5]  }
0x2d: {  	s3 =	simm.s32 $0x108;
	s8 =	sld [smem:$0x3FB6]  }
0x2e: {  	s3 =	simm.s32 @!p0 $0x1082;
	s9 =	sld [smem:$0x3FB7]  }
0x2f: {  	lr =	sadd.s32 s0, s3;
	s0 =	sld [smem:$0x3FAE]  }
0x30: {  	s3 =	sld [smem:$0x3FB1]  }
0x31: {  	[smem:$0x3FBA] =	sst s10  }
0x32: {  	s10 =	sld [smem:$0x3FB8];
	_ =	sdelay $0x3  }
0x33: {  	p0 =	seq.s32 s10, $0x1;
	s10 =	sld [smem:$0x3FBA];
	_ =	sdelay $0x3  }
0x34: {  	[smem:$0x3FBA] =	sst s10  }
0x35: {  	s10 =	sld [smem:$0x3FB9];
	_ =	sdelay $0x3  }
0x36: {  	p1 =	seq.s32 s10, $0x1;
	s10 =	sld [smem:$0x3FBA];
	_ =	sdelay $0x3  }
0x37: {  	[smem:$0x3FBA] =	sst s10  }
0x38: {  	s10 =	sld [smem:$0x3FBB]  }
0x39: {  	_ = 	snop;
	(pc) =	sbr.ind lr, $3  }
0x3a: {  	_ = 	snop  }
0x3b: {  	_ = 	snop  }
0x3c: {  	p2 =	seq.s32 s10, $0x1;
	s10 =	sld [smem:$0x3FBA]  }
0x3d: {  	_ =	shalt  }
0x3e: {  	_ =	shalt  }
0x3f: {  	_ =	shalt  }
0x40: {  	_ =	shalt  }
0x41: {  	_ =	shalt  }
0x42: {  	_ =	shalt  }
0x43: {  	_ =	shalt  }
0x44: {  	_ =	shalt  }
0x45: {  	_ =	shalt  }
0x46: {  	_ =	shalt  }
0x47: {  	_ =	shalt  }
0x48: {  	_ =	shalt  }
0x49: {  	_ =	shalt  }
0x4a: {  	_ =	shalt  }
0x4b: {  	_ =	shalt  }
0x4c: {  	_ =	shalt  }
0x4d: {  	_ =	shalt  }
0x4e: {  	_ =	shalt  }
0x4f: {  	_ =	shalt  }
0x50: {  	_ =	shalt  }
0x51: {  	_ =	shalt  }
0x52: {  	_ =	shalt  }
0x53: {  	_ =	shalt  }
0x54: {  	_ =	shalt  }
0x55: {  	_ =	shalt  }
0x56: {  	_ =	shalt  }
0x57: {  	_ =	shalt  }
0x58: {  	_ =	shalt  }
0x59: {  	_ =	shalt  }
0x5a: {  	_ =	shalt  }
0x5b: {  	_ =	shalt  }
0x5c: {  	_ =	shalt  }
0x5d: {  	_ =	shalt  }
0x5e: {  	_ =	shalt  }
0x5f: {  	_ =	shalt  }
0x60: {  	_ =	shalt  }
0x61: {  	_ =	shalt  }
0x62: {  	_ =	shalt  }
0x63: {  	_ =	shalt  }
0x64: {  	_ =	shalt  }
0x65: {  	_ =	shalt  }
0x66: {  	_ =	shalt  }
0x67: {  	_ =	shalt  }
0x68: {  	_ =	shalt  }
0x69: {  	_ =	shalt  }
0x6a: {  	_ =	shalt  }
0x6b: {  	_ =	shalt  }
0x6c: {  	_ =	shalt  }
0x6d: {  	_ =	shalt  }
0x6e: {  	_ =	shalt  }
0x6f: {  	_ =	shalt  }
0x70: {  	_ =	shalt  }
0x71: {  	_ =	shalt  }
0x72: {  	_ =	shalt  }
0x73: {  	_ =	shalt  }
0x74: {  	_ =	shalt  }
0x75: {  	_ =	shalt  }
0x76: {  	_ =	shalt  }
0x77: {  	_ =	shalt  }
0x78: {  	_ =	shalt  }
0x79: {  	_ =	shalt  }
0x7a: {  	_ =	shalt  }
0x7b: {  	_ =	shalt  }
0x7c: {  	_ =	shalt  }
0x7d: {  	_ =	shalt  }
0x7e: {  	_ =	shalt  }
0x7f: {  	_ =	shalt  }
0x80: {  	_ =	shalt  }
0x81: {  	_ =	shalt  }
0x82: {  	_ =	shalt  }
0x83: {  	_ =	shalt  }
0x84: {  	_ =	shalt  }
0x85: {  	_ =	shalt  }
0x86: {  	_ =	shalt  }
0x87: {  	_ =	shalt  }
.Lfunc_end0:
.L_simem_size_0:
called_computation_lowered:
.L_overlay_start_0:
0x88: {  	s2 =	sld [smem:$0x3FD9]  }
0x89: {  	s3 =	sld [smem:$0x3FFE];
	_ =	sdelay $0x1  }
0x8a: {  	s1 =	srdreg.scid  }
0x8b: {  	s0 =	sand.u32 $0x1, s1  }
0x8c: {  	s17 =	sshll.u32 s0, $0xA;
	s2 =	sadd.s32 s3, s2  }
0x8d: {  	s2 =	sadd.s32 s2, s17  }
0x8e: {  	[smem:$0x3FC6] =	sst s2  }
0x8f: {  	_ = 	snop  }
0x90: {  	s2 =	sld [smem:$0x3FC8]  }
0x91: {  	s18 =	sld [smem:$0x3FD0];
	(tm) =	ssettm $0x1  }
0x92: {  	s4 =	sld [smem:$0x3FFB];
	_ =	sdelay $0x3  }
0x93: {  	_ =	strace s4  }
0x94: {  	s4 =	sld [smem:$0x3FFC];
	_ =	sdelay $0x3  }
0x95: {  	_ =	strace s4  }
0x96: {  	s4 =	sld [smem:$0x3FFD];
	_ =	sdelay $0x3  }
0x97: {  	_ =	strace s4  }
0x98: {  	_ =	strace $0x8FFFFFFF  }
0x99: {  	s19 =	sld [smem:$0x3FDB];
	_ =	sdelay $0x1  }
0x9a: {  	s5 =	simm.s32 $_scs_section_size  }
0x9b: {  	s6 =	simm.s32 $_size__tile_overlayer_lowered;
	s7 =	simm.s32 $_tile_overlayer_lowered  }
0x9c: {  	s22 =	simm.s32 $0x1BFF;
	s21 =	sshll.u32 s7, $0x1;
	s4 =	sadd.s32 s5, s19  }
0x9d: {  	s8 =	simm.s32 $0x0;
	s20 =	sshll.u32 s6, $0x1;
	s6 =	sadd.s32 s21, s4  }
0x9e: {  	[timem:s8], [sflag:s22] =	dma.local [hbm:s6], s20  }
0x9f: {  	_ =	swait.ge [sflag:s22], s20  }
0xa0: {  	s5 =	ssub.s32 $0x0, s20;
	[sflag:s22] =	ssyncset.done $0x0  }
0xa1: {  	[sflag:s22] =	ssyncadd.s32 s5;
	_ =	sdelay $0x1  }
0xa2: {  	s23 =	simm.s32 $0x1B8B  }
0xa3: {  	_ =	swait.ge [sflag:s23], $0x1  }
0xa4: {  	[sflag:s23] =	ssyncset.done $0x0  }
0xa5: {  	s25 =	simm.s32 $0x1B8E;
	s24 =	sld [smem:$0x3FFE];
	[sflag:s23] =	ssyncadd.s32 $0xFFFFFFFF  }
0xa6: {  	s26 =	simm.s32 $execute0_lowered;
	[smem:$0x3FD2] =	sst s25  }
0xa7: {  	s6 =	sshll.u32 s26, $0x1;
	_ =	strace $0x80000046;
	[dreg:$0x1] =	wrdreg $0xFFFFFFFF  }
0xa8: {  	s28 =	simm.s32 $_size_execute0_lowered;
	s4 =	sadd.s32 s4, s6;
	[dreg:$0x0] =	wrdreg $0x0  }
0xa9: {  	s6 =	sshll.u32 s28, $0x1;
	[dreg:$0x2] =	wrdreg s4  }
0xaa: {  	[dreg:$0x3] =	wrdreg s6  }
0xab: {  	[dreg:$0x4] =	wrdreg $0xC0  }
0xac: {  	_ =	task [dreg:s8], $0x5FFFF  }
0xad: {  	[dreg:$0x1] =	wrdreg $0xFFFFFFFF  }
0xae: {  	[dreg:$0x0] =	wrdreg $0x60  }
0xaf: {  	[dreg:$0x2] =	wrdreg s18  }
0xb0: {  	[dreg:$0x3] =	wrdreg s2  }
0xb1: {  	[dreg:$0x4] =	wrdreg s24  }
0xb2: {  	[dreg:$0x5] =	wrdreg $0x9  }
0xb3: {  	_ =	task.clear_ibuf [dreg:s8], $0x6FFFF;
	_ =	strace $0x90000046  }
0xb4: {  	s29 =	simm.s32 $0x9;
	_ =	strace $0x80000048  }
0xb5: {  	_ =	swait.ge [sflag:s29], $0x1  }
0xb6: {  	[sflag:s29] =	ssyncadd.s32 $0xFFFFFFFF  }
0xb7: {  	_ =	strace $0x90000048  }
0xb8: {  	_ =	sfence  }
0xb9: {  	s30 =	sld [smem:$0x0];
	_ =	sdelay $0x2  }
0xba: {  	s31 =	sshll.u32 s1, $0xD;
	s1 =	sshrl.u32 s1, $0x2  }
0xbb: {  	s3 =	sand.u32 $0x4000, s31;
	s1 =	sadd.s32 s1, s30  }
0xbc: {  	s0 =	sor.u32 s3, s0;
	s1 =	sshll.u32 s1, $0x11  }
0xbd: {  	s0 =	sor.u32 s1, s0  }
0xbe: {  	s0 =	sadd.s32 $0x8F2B, s0  }
0xbf: {  	[sflag:s0] =	ssyncadd.remote.s32 $0x1  }
0xc0: {  	_ =	sfence.sel $0xFFFF  }
0xc1: {  	[dreg:$0x0] =	wrdreg $0xFFFFFFFF;
	(pc) =	sbr.abs _section_cstart, $3  }
0xc2: {  	[dreg:$0x1] =	wrdreg $0xFFFFFFFF  }
0xc3: {  	_ =	task.clear_ibuf [dreg:s8], $0x2FFFF;
	_ =	strace $0x9FFFFFFF  }
0xc4: {  	(tm) =	ssettm $0x7FFFFFFF  }
0xc5: {  	_ =	shalt  }
tec
execute0_lowered:
.L_overlay_start_1:
0x0: {  	(tag) =	ssettag $0x1  }
0x1: {  	s1 =	rddreg [dreg:$0x0]  }
0x2: {  	s6 =	rddreg [dreg:$0x1]  }
0x3: {  	s4 =	rddreg [dreg:$0x2]  }
0x4: {  	s0 =	rddreg [dreg:$0x3];
	s2 =	simm.s32 $0x0  }
0x5: {  	s3 =	srdreg.scid;
	s11 =	simm.s32 $0x800;
	s12 =	simm.s32 $0x0  }
0x6: {  	[smem:$0x7FF] =	sst s2;
	s5 =	sand.u32 $0x1, s3;
	s3 =	stileid.u32  }
0x7: {  	s4 =	sadd.s32 $0x400, s4;
	_ =	strace $0x80000047;
	s7 =	ssub.s32 $0x2, s5  }
0x8: {  	s9 =	sshll.u32 s3, $0x2;
	s10 =	sshll.u32 s3, $0x12;
	s5 =	sshll.u32 s5, $0x11  }
0x9: {  	s8 =	sshrl.u32 s7, $0x1;
	s9 =	sand.u32 $0x30, s9;
	s5 =	sor.u32 s5, s10  }
0xa: {  	s10 =	simm.s32 $0x1;
	s7 =	ssub.s32 s7, s8;
	s6 =	sadd.s32 s6, s9  }
0xb: {  	s8 =	simm.s32 $0x80;
	s9 =	simm.s32 $0x200;
	s7 =	smax.u32 s7, $0x1  }
.LBB2_1:
0xc: {  	[tilespmem:s2], [sflag:$0x1] =	stream.strided.gather [hbm4b:s6+s8], $0x800, s9, s8, $0x38;
	[tilespmem:$0x10800] =	vst v63  }
0xd: {  	_ =	swait.ge [sflag:s10], $0x800  }
0xe: {  	[sflag:s10] =	ssyncset.done $0x0  }
0xf: {  	s13 =	simm.s32 $0x0;
	[sflag:s10] =	ssyncadd.s32 $0xFFFFF800  }
.LBB2_2:
0x10: {  	s14 =	sshll.u32 s13, $0xD  }
0x11: {  	s14 =	sadd.s32 s5, s14  }
0x12: {  	s16 =	simm.s32 $0x0;
	s15 =	sadd.s32 s1, s14  }
0x13: {  	[tilespmem:s11], [sflag:$0x1] =	stream.linear.gather [hbm4b:s15+s16], $0x10000, $0x38;
	[tilespmem:$0x10800] =	vst v63  }
0x14: {  	_ =	swait.ge [sflag:s10], $0x10000  }
0x15: {  	[sflag:s10] =	ssyncset.done $0x0  }
0x16: {  	[sflag:s10] =	ssyncadd.s32 $0xFFFF0000  }
0x17: {  	v0 =	vld [tilespmem:$0x0]  }
0x18: {  	v1 =	vld [tilespmem:$0x10]  }
0x19: {  	v2 =	vld [tilespmem:$0x20]  }
0x1a: {  	v3 =	vld [tilespmem:$0x30]  }
0x1b: {  	v4 =	vld [tilespmem:$0x40]  }
0x1c: {  	v5 =	vld [tilespmem:$0x50]  }
0x1d: {  	v6 =	vld [tilespmem:$0x60]  }
0x1e: {  	v7 =	vld [tilespmem:$0x70]  }
0x1f: {  	v8 =	vld [tilespmem:$0x80]  }
0x20: {  	v9 =	vld [tilespmem:$0x90]  }
0x21: {  	v10 =	vld [tilespmem:$0xA0]  }
0x22: {  	v11 =	vld [tilespmem:$0xB0]  }
0x23: {  	v13 =	vld [tilespmem:$0xC0]  }
0x24: {  	s19 =	sand.u32 $0xC000, s16;
	s16 =	sand.u32 $0x380, s16;
	v12 =	vld [tilespmem:$0xD0]  }
0x25: {  	s15 =	sor.u32 s16, s19;
	v14 =	vld [tilespmem:$0xE0]  }
0x26: {  	s16 =	sor.u32 $0x800, s15;
	v15 =	vld [tilespmem:$0xF0]  }
0x27: {  	s20 =	sor.u32 $0x810, s15;
	[tilespmem:s16+$0x0] =	vst.add.f32.msk $0xffff, v0  }
0x28: {  	s21 =	sor.u32 $0x820, s15;
	[tilespmem:s20+$0x0] =	vst.add.f32.msk $0xffff, v1  }
0x29: {  	s22 =	sor.u32 $0x830, s15;
	[tilespmem:s21+$0x0] =	vst.add.f32.msk $0xffff, v2  }
0x2a: {  	s23 =	sor.u32 $0x840, s15;
	[tilespmem:s22+$0x0] =	vst.add.f32.msk $0xffff, v3  }
0x2b: {  	s24 =	sor.u32 $0x850, s15;
	[tilespmem:s23+$0x0] =	vst.add.f32.msk $0xffff, v4  }
0x2c: {  	s25 =	sor.u32 $0x860, s15;
	[tilespmem:s24+$0x0] =	vst.add.f32.msk $0xffff, v5  }
0x2d: {  	s26 =	sor.u32 $0x870, s15;
	[tilespmem:s25+$0x0] =	vst.add.f32.msk $0xffff, v6  }
0x2e: {  	s28 =	sor.u32 $0xC00, s15;
	[tilespmem:s26+$0x0] =	vst.add.f32.msk $0xffff, v7  }
0x2f: {  	s29 =	sor.u32 $0xC10, s15;
	[tilespmem:s28+$0x0] =	vst.add.f32.msk $0xffff, v8  }
0x30: {  	s30 =	sor.u32 $0xC20, s15;
	[tilespmem:s29+$0x0] =	vst.add.f32.msk $0xffff, v9  }
0x31: {  	s31 =	sor.u32 $0xC30, s15;
	[tilespmem:s30+$0x0] =	vst.add.f32.msk $0xffff, v10  }
0x32: {  	s18 =	simm.s32 $0x800;
	s17 =	sor.u32 $0xC40, s15;
	[tilespmem:s31+$0x0] =	vst.add.f32.msk $0xffff, v11  }
0x33: {  	s19 =	sor.u32 $0xC50, s15;
	s16 =	sor.u32 $0xC60, s15;
	[tilespmem:s17+$0x0] =	vst.add.f32.msk $0xffff, v13;
	s17 =	simm.s32 $0x80  }
.LBB2_3:
0x34: {  	s20 =	sand.u32 $0xC000, s18  }
0x35: {  	s21 =	sand.u32 $0x380, s17;
	[tilespmem:s19+$0x0] =	vst.add.f32.msk $0xffff, v12;
	s19 =	smov.u32 s18;
	s22 =	sadd.s32 $0x800, s18  }
0x36: {  	p0 =	sne.s32 s18, $0xF800;
	s18 =	sor.u32 $0xC70, s15;
	[tilespmem:s16+$0x0] =	vst.add.f32.msk $0xffff, v14;
	s15 =	sor.u32 s21, s20  }
0x37: {  	s19 =	sor.u32 $0x800, s15;
	s16 =	sor.u32 $0xC60, s15;
	[tilespmem:s18+$0x0] =	vst.add.f32.msk $0xffff, v15  }
0x38: {  	s18 =	sor.u32 $0x810, s15;
	[tilespmem:s19+$0x0] =	vst.add.f32.msk $0xffff, v0  }
0x39: {  	[tilespmem:s18+$0x0] =	vst.add.f32.msk $0xffff, v1;
	s18 =	sor.u32 $0x820, s15  }
0x3a: {  	[tilespmem:s18+$0x0] =	vst.add.f32.msk $0xffff, v2;
	s18 =	sor.u32 $0x830, s15  }
0x3b: {  	[tilespmem:s18+$0x0] =	vst.add.f32.msk $0xffff, v3;
	s18 =	sor.u32 $0x840, s15  }
0x3c: {  	[tilespmem:s18+$0x0] =	vst.add.f32.msk $0xffff, v4;
	s18 =	sor.u32 $0x850, s15  }
0x3d: {  	[tilespmem:s18+$0x0] =	vst.add.f32.msk $0xffff, v5;
	s18 =	sor.u32 $0x860, s15  }
0x3e: {  	[tilespmem:s18+$0x0] =	vst.add.f32.msk $0xffff, v6;
	s18 =	sor.u32 $0x870, s15  }
0x3f: {  	[tilespmem:s18+$0x0] =	vst.add.f32.msk $0xffff, v7;
	s18 =	sor.u32 $0xC00, s15  }
.Ltmp0:
0x40: {  	[tilespmem:s18+$0x0] =	vst.add.f32.msk $0xffff, v8;
	s18 =	sor.u32 $0xC10, s15;
	(pc) =	sbr.rel @p0 .LBB2_3-.Ltmp0, $4  }
0x41: {  	[tilespmem:s18+$0x0] =	vst.add.f32.msk $0xffff, v9;
	s18 =	sor.u32 $0xC20, s15  }
0x42: {  	[tilespmem:s18+$0x0] =	vst.add.f32.msk $0xffff, v10;
	s18 =	sor.u32 $0xC30, s15  }
0x43: {  	[tilespmem:s18+$0x0] =	vst.add.f32.msk $0xffff, v11;
	s18 =	sor.u32 $0xC40, s15  }
0x44: {  	s17 =	sadd.s32 $0x80, s17;
	s19 =	sor.u32 $0xC50, s15;
	[tilespmem:s18+$0x0] =	vst.add.f32.msk $0xffff, v13;
	s18 =	smov.u32 s22  }
0x45: {  	[tilespmem:s19+$0x0] =	vst.add.f32.msk $0xffff, v12  }
0x46: {  	s15 =	sor.u32 $0xC70, s15;
	[tilespmem:s16+$0x0] =	vst.add.f32.msk $0xffff, v14  }
0x47: {  	[tilespmem:s15+$0x0] =	vst.add.f32.msk $0xffff, v15  }
0x48: {  	v0 =	vld [tilespmem:$0x100]  }
0x49: {  	v1 =	vld [tilespmem:$0x110]  }
0x4a: {  	v2 =	vld [tilespmem:$0x120]  }
0x4b: {  	v3 =	vld [tilespmem:$0x130]  }
0x4c: {  	v4 =	vld [tilespmem:$0x140]  }
0x4d: {  	v5 =	vld [tilespmem:$0x150]  }
0x4e: {  	v6 =	vld [tilespmem:$0x160]  }
0x4f: {  	v7 =	vld [tilespmem:$0x170]  }
0x50: {  	v8 =	vld [tilespmem:$0x180]  }
0x51: {  	v9 =	vld [tilespmem:$0x190]  }
0x52: {  	v10 =	vld [tilespmem:$0x1A0]  }
0x53: {  	v11 =	vld [tilespmem:$0x1B0]  }
0x54: {  	s18 =	simm.s32 $0x0;
	v12 =	vld [tilespmem:$0x1C0]  }
0x55: {  	s19 =	sand.u32 $0xC000, s18;
	s15 =	sand.u32 $0x380, s18;
	v13 =	vld [tilespmem:$0x1D0]  }
0x56: {  	v14 =	vld [tilespmem:$0x1E0];
	s15 =	sor.u32 s15, s19  }
0x57: {  	v15 =	vld [tilespmem:$0x1F0];
	s16 =	sor.u32 $0x1000, s15  }
0x58: {  	s20 =	sor.u32 $0x1010, s15;
	[tilespmem:s16+$0x0] =	vst.add.f32.msk $0xffff, v0  }
0x59: {  	s21 =	sor.u32 $0x1020, s15;
	[tilespmem:s20+$0x0] =	vst.add.f32.msk $0xffff, v1  }
0x5a: {  	s22 =	sor.u32 $0x1030, s15;
	[tilespmem:s21+$0x0] =	vst.add.f32.msk $0xffff, v2  }
0x5b: {  	s23 =	sor.u32 $0x1040, s15;
	[tilespmem:s22+$0x0] =	vst.add.f32.msk $0xffff, v3  }
0x5c: {  	s24 =	sor.u32 $0x1050, s15;
	[tilespmem:s23+$0x0] =	vst.add.f32.msk $0xffff, v4  }
0x5d: {  	s25 =	sor.u32 $0x1060, s15;
	[tilespmem:s24+$0x0] =	vst.add.f32.msk $0xffff, v5  }
0x5e: {  	s26 =	sor.u32 $0x1070, s15;
	[tilespmem:s25+$0x0] =	vst.add.f32.msk $0xffff, v6  }
0x5f: {  	s28 =	sor.u32 $0x1400, s15;
	[tilespmem:s26+$0x0] =	vst.add.f32.msk $0xffff, v7  }
0x60: {  	s29 =	sor.u32 $0x1410, s15;
	[tilespmem:s28+$0x0] =	vst.add.f32.msk $0xffff, v8  }
0x61: {  	s30 =	sor.u32 $0x1420, s15;
	[tilespmem:s29+$0x0] =	vst.add.f32.msk $0xffff, v9  }
0x62: {  	s31 =	sor.u32 $0x1430, s15;
	[tilespmem:s30+$0x0] =	vst.add.f32.msk $0xffff, v10  }
0x63: {  	s18 =	simm.s32 $0x800;
	s17 =	sor.u32 $0x1440, s15;
	[tilespmem:s31+$0x0] =	vst.add.f32.msk $0xffff, v11  }
0x64: {  	s19 =	sor.u32 $0x1450, s15;
	s16 =	sor.u32 $0x1460, s15;
	[tilespmem:s17+$0x0] =	vst.add.f32.msk $0xffff, v12;
	s17 =	simm.s32 $0x80  }
.LBB2_5:
0x65: {  	s20 =	sand.u32 $0xC000, s18  }
0x66: {  	s21 =	sand.u32 $0x380, s17;
	[tilespmem:s19+$0x0] =	vst.add.f32.msk $0xffff, v13;
	s19 =	smov.u32 s18;
	s22 =	sadd.s32 $0x800, s18  }
0x67: {  	p0 =	sne.s32 s18, $0xF800;
	s18 =	sor.u32 $0x1470, s15;
	[tilespmem:s16+$0x0] =	vst.add.f32.msk $0xffff, v14;
	s15 =	sor.u32 s21, s20  }
0x68: {  	s19 =	sor.u32 $0x1000, s15;
	s16 =	sor.u32 $0x1460, s15;
	[tilespmem:s18+$0x0] =	vst.add.f32.msk $0xffff, v15  }
0x69: {  	s18 =	sor.u32 $0x1010, s15;
	[tilespmem:s19+$0x0] =	vst.add.f32.msk $0xffff, v0  }
0x6a: {  	[tilespmem:s18+$0x0] =	vst.add.f32.msk $0xffff, v1;
	s18 =	sor.u32 $0x1020, s15  }
0x6b: {  	[tilespmem:s18+$0x0] =	vst.add.f32.msk $0xffff, v2;
	s18 =	sor.u32 $0x1030, s15  }
0x6c: {  	[tilespmem:s18+$0x0] =	vst.add.f32.msk $0xffff, v3;
	s18 =	sor.u32 $0x1040, s15  }
0x6d: {  	[tilespmem:s18+$0x0] =	vst.add.f32.msk $0xffff, v4;
	s18 =	sor.u32 $0x1050, s15  }
0x6e: {  	[tilespmem:s18+$0x0] =	vst.add.f32.msk $0xffff, v5;
	s18 =	sor.u32 $0x1060, s15  }
0x6f: {  	[tilespmem:s18+$0x0] =	vst.add.f32.msk $0xffff, v6;
	s18 =	sor.u32 $0x1070, s15  }
0x70: {  	[tilespmem:s18+$0x0] =	vst.add.f32.msk $0xffff, v7;
	s18 =	sor.u32 $0x1400, s15  }
.Ltmp1:
0x71: {  	[tilespmem:s18+$0x0] =	vst.add.f32.msk $0xffff, v8;
	s18 =	sor.u32 $0x1410, s15;
	(pc) =	sbr.rel @p0 .LBB2_5-.Ltmp1, $4  }
0x72: {  	[tilespmem:s18+$0x0] =	vst.add.f32.msk $0xffff, v9;
	s18 =	sor.u32 $0x1420, s15  }
0x73: {  	[tilespmem:s18+$0x0] =	vst.add.f32.msk $0xffff, v10;
	s18 =	sor.u32 $0x1430, s15  }
0x74: {  	[tilespmem:s18+$0x0] =	vst.add.f32.msk $0xffff, v11;
	s18 =	sor.u32 $0x1440, s15  }
0x75: {  	s17 =	sadd.s32 $0x80, s17;
	s19 =	sor.u32 $0x1450, s15;
	[tilespmem:s18+$0x0] =	vst.add.f32.msk $0xffff, v12;
	s18 =	smov.u32 s22  }
0x76: {  	[tilespmem:s19+$0x0] =	vst.add.f32.msk $0xffff, v13  }
0x77: {  	s15 =	sor.u32 $0x1470, s15;
	[tilespmem:s16+$0x0] =	vst.add.f32.msk $0xffff, v14  }
0x78: {  	[tilespmem:s15+$0x0] =	vst.add.f32.msk $0xffff, v15  }
0x79: {  	v0 =	vld [tilespmem:$0x200]  }
0x7a: {  	v1 =	vld [tilespmem:$0x210]  }
0x7b: {  	v2 =	vld [tilespmem:$0x220]  }
0x7c: {  	v3 =	vld [tilespmem:$0x230]  }
0x7d: {  	v4 =	vld [tilespmem:$0x240]  }
0x7e: {  	v5 =	vld [tilespmem:$0x250]  }
0x7f: {  	v6 =	vld [tilespmem:$0x260]  }
0x80: {  	v7 =	vld [tilespmem:$0x270]  }
0x81: {  	v8 =	vld [tilespmem:$0x280]  }
0x82: {  	v9 =	vld [tilespmem:$0x290]  }
0x83: {  	v10 =	vld [tilespmem:$0x2A0]  }
0x84: {  	v11 =	vld [tilespmem:$0x2B0]  }
0x85: {  	s18 =	simm.s32 $0x0;
	v12 =	vld [tilespmem:$0x2C0]  }
0x86: {  	s19 =	sand.u32 $0xC000, s18;
	s15 =	sand.u32 $0x380, s18;
	v13 =	vld [tilespmem:$0x2D0]  }
0x87: {  	v14 =	vld [tilespmem:$0x2E0];
	s15 =	sor.u32 s15, s19  }
0x88: {  	v15 =	vld [tilespmem:$0x2F0];
	s16 =	sor.u32 $0x1800, s15  }
0x89: {  	s20 =	sor.u32 $0x1810, s15;
	[tilespmem:s16+$0x0] =	vst.add.f32.msk $0xffff, v0  }
0x8a: {  	s21 =	sor.u32 $0x1820, s15;
	[tilespmem:s20+$0x0] =	vst.add.f32.msk $0xffff, v1  }
0x8b: {  	s22 =	sor.u32 $0x1830, s15;
	[tilespmem:s21+$0x0] =	vst.add.f32.msk $0xffff, v2  }
0x8c: {  	s23 =	sor.u32 $0x1840, s15;
	[tilespmem:s22+$0x0] =	vst.add.f32.msk $0xffff, v3  }
0x8d: {  	s24 =	sor.u32 $0x1850, s15;
	[tilespmem:s23+$0x0] =	vst.add.f32.msk $0xffff, v4  }
0x8e: {  	s25 =	sor.u32 $0x1860, s15;
	[tilespmem:s24+$0x0] =	vst.add.f32.msk $0xffff, v5  }
0x8f: {  	s26 =	sor.u32 $0x1870, s15;
	[tilespmem:s25+$0x0] =	vst.add.f32.msk $0xffff, v6  }
0x90: {  	s28 =	sor.u32 $0x1C00, s15;
	[tilespmem:s26+$0x0] =	vst.add.f32.msk $0xffff, v7  }
0x91: {  	s29 =	sor.u32 $0x1C10, s15;
	[tilespmem:s28+$0x0] =	vst.add.f32.msk $0xffff, v8  }
0x92: {  	s30 =	sor.u32 $0x1C20, s15;
	[tilespmem:s29+$0x0] =	vst.add.f32.msk $0xffff, v9  }
0x93: {  	s31 =	sor.u32 $0x1C30, s15;
	[tilespmem:s30+$0x0] =	vst.add.f32.msk $0xffff, v10  }
0x94: {  	s18 =	simm.s32 $0x800;
	s17 =	sor.u32 $0x1C40, s15;
	[tilespmem:s31+$0x0] =	vst.add.f32.msk $0xffff, v11  }
0x95: {  	s19 =	sor.u32 $0x1C50, s15;
	s16 =	sor.u32 $0x1C60, s15;
	[tilespmem:s17+$0x0] =	vst.add.f32.msk $0xffff, v12;
	s17 =	simm.s32 $0x80  }
.LBB2_7:
0x96: {  	s20 =	sand.u32 $0xC000, s18  }
0x97: {  	s21 =	sand.u32 $0x380, s17;
	[tilespmem:s19+$0x0] =	vst.add.f32.msk $0xffff, v13;
	s19 =	smov.u32 s18;
	s22 =	sadd.s32 $0x800, s18  }
0x98: {  	p0 =	sne.s32 s18, $0xF800;
	s18 =	sor.u32 $0x1C70, s15;
	[tilespmem:s16+$0x0] =	vst.add.f32.msk $0xffff, v14;
	s15 =	sor.u32 s21, s20  }
0x99: {  	s19 =	sor.u32 $0x1800, s15;
	s16 =	sor.u32 $0x1C60, s15;
	[tilespmem:s18+$0x0] =	vst.add.f32.msk $0xffff, v15  }
0x9a: {  	s18 =	sor.u32 $0x1810, s15;
	[tilespmem:s19+$0x0] =	vst.add.f32.msk $0xffff, v0  }
0x9b: {  	[tilespmem:s18+$0x0] =	vst.add.f32.msk $0xffff, v1;
	s18 =	sor.u32 $0x1820, s15  }
0x9c: {  	[tilespmem:s18+$0x0] =	vst.add.f32.msk $0xffff, v2;
	s18 =	sor.u32 $0x1830, s15  }
0x9d: {  	[tilespmem:s18+$0x0] =	vst.add.f32.msk $0xffff, v3;
	s18 =	sor.u32 $0x1840, s15  }
0x9e: {  	[tilespmem:s18+$0x0] =	vst.add.f32.msk $0xffff, v4;
	s18 =	sor.u32 $0x1850, s15  }
0x9f: {  	[tilespmem:s18+$0x0] =	vst.add.f32.msk $0xffff, v5;
	s18 =	sor.u32 $0x1860, s15  }
0xa0: {  	[tilespmem:s18+$0x0] =	vst.add.f32.msk $0xffff, v6;
	s18 =	sor.u32 $0x1870, s15  }
0xa1: {  	[tilespmem:s18+$0x0] =	vst.add.f32.msk $0xffff, v7;
	s18 =	sor.u32 $0x1C00, s15  }
.Ltmp2:
0xa2: {  	[tilespmem:s18+$0x0] =	vst.add.f32.msk $0xffff, v8;
	s18 =	sor.u32 $0x1C10, s15;
	(pc) =	sbr.rel @p0 .LBB2_7-.Ltmp2, $4  }
0xa3: {  	[tilespmem:s18+$0x0] =	vst.add.f32.msk $0xffff, v9;
	s18 =	sor.u32 $0x1C20, s15  }
0xa4: {  	[tilespmem:s18+$0x0] =	vst.add.f32.msk $0xffff, v10;
	s18 =	sor.u32 $0x1C30, s15  }
0xa5: {  	[tilespmem:s18+$0x0] =	vst.add.f32.msk $0xffff, v11;
	s18 =	sor.u32 $0x1C40, s15  }
0xa6: {  	s17 =	sadd.s32 $0x80, s17;
	s19 =	sor.u32 $0x1C50, s15;
	[tilespmem:s18+$0x0] =	vst.add.f32.msk $0xffff, v12;
	s18 =	smov.u32 s22  }
0xa7: {  	[tilespmem:s19+$0x0] =	vst.add.f32.msk $0xffff, v13  }
0xa8: {  	s15 =	sor.u32 $0x1C70, s15;
	[tilespmem:s16+$0x0] =	vst.add.f32.msk $0xffff, v14  }
0xa9: {  	[tilespmem:s15+$0x0] =	vst.add.f32.msk $0xffff, v15  }
0xaa: {  	v0 =	vld [tilespmem:$0x300]  }
0xab: {  	v1 =	vld [tilespmem:$0x310]  }
0xac: {  	v2 =	vld [tilespmem:$0x320]  }
0xad: {  	v3 =	vld [tilespmem:$0x330]  }
0xae: {  	v4 =	vld [tilespmem:$0x340]  }
0xaf: {  	v5 =	vld [tilespmem:$0x350]  }
0xb0: {  	v6 =	vld [tilespmem:$0x360]  }
0xb1: {  	v7 =	vld [tilespmem:$0x370]  }
0xb2: {  	v8 =	vld [tilespmem:$0x380]  }
0xb3: {  	v9 =	vld [tilespmem:$0x390]  }
0xb4: {  	v10 =	vld [tilespmem:$0x3A0]  }
0xb5: {  	v11 =	vld [tilespmem:$0x3B0]  }
0xb6: {  	s18 =	simm.s32 $0x0;
	v12 =	vld [tilespmem:$0x3C0]  }
0xb7: {  	s19 =	sand.u32 $0xC000, s18;
	s15 =	sand.u32 $0x380, s18;
	v13 =	vld [tilespmem:$0x3D0]  }
0xb8: {  	v14 =	vld [tilespmem:$0x3E0];
	s15 =	sor.u32 s15, s19  }
0xb9: {  	v15 =	vld [tilespmem:$0x3F0];
	s16 =	sor.u32 $0x2000, s15  }
0xba: {  	s20 =	sor.u32 $0x2010, s15;
	[tilespmem:s16+$0x0] =	vst.add.f32.msk $0xffff, v0  }
0xbb: {  	s21 =	sor.u32 $0x2020, s15;
	[tilespmem:s20+$0x0] =	vst.add.f32.msk $0xffff, v1  }
0xbc: {  	s22 =	sor.u32 $0x2030, s15;
	[tilespmem:s21+$0x0] =	vst.add.f32.msk $0xffff, v2  }
0xbd: {  	s23 =	sor.u32 $0x2040, s15;
	[tilespmem:s22+$0x0] =	vst.add.f32.msk $0xffff, v3  }
0xbe: {  	s24 =	sor.u32 $0x2050, s15;
	[tilespmem:s23+$0x0] =	vst.add.f32.msk $0xffff, v4  }
0xbf: {  	s25 =	sor.u32 $0x2060, s15;
	[tilespmem:s24+$0x0] =	vst.add.f32.msk $0xffff, v5  }
0xc0: {  	s26 =	sor.u32 $0x2070, s15;
	[tilespmem:s25+$0x0] =	vst.add.f32.msk $0xffff, v6  }
0xc1: {  	s28 =	sor.u32 $0x2400, s15;
	[tilespmem:s26+$0x0] =	vst.add.f32.msk $0xffff, v7  }
0xc2: {  	s29 =	sor.u32 $0x2410, s15;
	[tilespmem:s28+$0x0] =	vst.add.f32.msk $0xffff, v8  }
0xc3: {  	s30 =	sor.u32 $0x2420, s15;
	[tilespmem:s29+$0x0] =	vst.add.f32.msk $0xffff, v9  }
0xc4: {  	s31 =	sor.u32 $0x2430, s15;
	[tilespmem:s30+$0x0] =	vst.add.f32.msk $0xffff, v10  }
0xc5: {  	s18 =	simm.s32 $0x800;
	s17 =	sor.u32 $0x2440, s15;
	[tilespmem:s31+$0x0] =	vst.add.f32.msk $0xffff, v11  }
0xc6: {  	s19 =	sor.u32 $0x2450, s15;
	s16 =	sor.u32 $0x2460, s15;
	[tilespmem:s17+$0x0] =	vst.add.f32.msk $0xffff, v12;
	s17 =	simm.s32 $0x80  }
.LBB2_9:
0xc7: {  	s20 =	sand.u32 $0xC000, s18  }
0xc8: {  	s21 =	sand.u32 $0x380, s17;
	[tilespmem:s19+$0x0] =	vst.add.f32.msk $0xffff, v13;
	s19 =	smov.u32 s18;
	s22 =	sadd.s32 $0x800, s18  }
0xc9: {  	p0 =	sne.s32 s18, $0xF800;
	s18 =	sor.u32 $0x2470, s15;
	[tilespmem:s16+$0x0] =	vst.add.f32.msk $0xffff, v14;
	s15 =	sor.u32 s21, s20  }
0xca: {  	s19 =	sor.u32 $0x2000, s15;
	s16 =	sor.u32 $0x2460, s15;
	[tilespmem:s18+$0x0] =	vst.add.f32.msk $0xffff, v15  }
0xcb: {  	s18 =	sor.u32 $0x2010, s15;
	[tilespmem:s19+$0x0] =	vst.add.f32.msk $0xffff, v0  }
0xcc: {  	[tilespmem:s18+$0x0] =	vst.add.f32.msk $0xffff, v1;
	s18 =	sor.u32 $0x2020, s15  }
0xcd: {  	[tilespmem:s18+$0x0] =	vst.add.f32.msk $0xffff, v2;
	s18 =	sor.u32 $0x2030, s15  }
0xce: {  	[tilespmem:s18+$0x0] =	vst.add.f32.msk $0xffff, v3;
	s18 =	sor.u32 $0x2040, s15  }
0xcf: {  	[tilespmem:s18+$0x0] =	vst.add.f32.msk $0xffff, v4;
	s18 =	sor.u32 $0x2050, s15  }
0xd0: {  	[tilespmem:s18+$0x0] =	vst.add.f32.msk $0xffff, v5;
	s18 =	sor.u32 $0x2060, s15  }
0xd1: {  	[tilespmem:s18+$0x0] =	vst.add.f32.msk $0xffff, v6;
	s18 =	sor.u32 $0x2070, s15  }
0xd2: {  	[tilespmem:s18+$0x0] =	vst.add.f32.msk $0xffff, v7;
	s18 =	sor.u32 $0x2400, s15  }
.Ltmp3:
0xd3: {  	[tilespmem:s18+$0x0] =	vst.add.f32.msk $0xffff, v8;
	s18 =	sor.u32 $0x2410, s15;
	(pc) =	sbr.rel @p0 .LBB2_9-.Ltmp3, $4  }
0xd4: {  	[tilespmem:s18+$0x0] =	vst.add.f32.msk $0xffff, v9;
	s18 =	sor.u32 $0x2420, s15  }
0xd5: {  	[tilespmem:s18+$0x0] =	vst.add.f32.msk $0xffff, v10;
	s18 =	sor.u32 $0x2430, s15  }
0xd6: {  	[tilespmem:s18+$0x0] =	vst.add.f32.msk $0xffff, v11;
	s18 =	sor.u32 $0x2440, s15  }
0xd7: {  	s17 =	sadd.s32 $0x80, s17;
	s19 =	sor.u32 $0x2450, s15;
	[tilespmem:s18+$0x0] =	vst.add.f32.msk $0xffff, v12;
	s18 =	smov.u32 s22  }
0xd8: {  	[tilespmem:s19+$0x0] =	vst.add.f32.msk $0xffff, v13  }
0xd9: {  	s15 =	sor.u32 $0x2470, s15;
	[tilespmem:s16+$0x0] =	vst.add.f32.msk $0xffff, v14  }
0xda: {  	[tilespmem:s15+$0x0] =	vst.add.f32.msk $0xffff, v15  }
0xdb: {  	v0 =	vld [tilespmem:$0x400]  }
0xdc: {  	v1 =	vld [tilespmem:$0x410]  }
0xdd: {  	v2 =	vld [tilespmem:$0x420]  }
0xde: {  	v3 =	vld [tilespmem:$0x430]  }
0xdf: {  	v4 =	vld [tilespmem:$0x440]  }
0xe0: {  	v5 =	vld [tilespmem:$0x450]  }
0xe1: {  	v6 =	vld [tilespmem:$0x460]  }
0xe2: {  	v7 =	vld [tilespmem:$0x470]  }
0xe3: {  	v8 =	vld [tilespmem:$0x480]  }
0xe4: {  	v9 =	vld [tilespmem:$0x490]  }
0xe5: {  	v10 =	vld [tilespmem:$0x4A0]  }
0xe6: {  	v11 =	vld [tilespmem:$0x4B0]  }
0xe7: {  	s18 =	simm.s32 $0x0;
	v12 =	vld [tilespmem:$0x4C0]  }
0xe8: {  	s19 =	sand.u32 $0xC000, s18;
	s15 =	sand.u32 $0x380, s18;
	v13 =	vld [tilespmem:$0x4D0]  }
0xe9: {  	v14 =	vld [tilespmem:$0x4E0];
	s15 =	sor.u32 s15, s19  }
0xea: {  	v15 =	vld [tilespmem:$0x4F0];
	s16 =	sor.u32 $0x2800, s15  }
0xeb: {  	s20 =	sor.u32 $0x2810, s15;
	[tilespmem:s16+$0x0] =	vst.add.f32.msk $0xffff, v0  }
0xec: {  	s21 =	sor.u32 $0x2820, s15;
	[tilespmem:s20+$0x0] =	vst.add.f32.msk $0xffff, v1  }
0xed: {  	s22 =	sor.u32 $0x2830, s15;
	[tilespmem:s21+$0x0] =	vst.add.f32.msk $0xffff, v2  }
0xee: {  	s23 =	sor.u32 $0x2840, s15;
	[tilespmem:s22+$0x0] =	vst.add.f32.msk $0xffff, v3  }
0xef: {  	s24 =	sor.u32 $0x2850, s15;
	[tilespmem:s23+$0x0] =	vst.add.f32.msk $0xffff, v4  }
0xf0: {  	s25 =	sor.u32 $0x2860, s15;
	[tilespmem:s24+$0x0] =	vst.add.f32.msk $0xffff, v5  }
0xf1: {  	s26 =	sor.u32 $0x2870, s15;
	[tilespmem:s25+$0x0] =	vst.add.f32.msk $0xffff, v6  }
0xf2: {  	s28 =	sor.u32 $0x2C00, s15;
	[tilespmem:s26+$0x0] =	vst.add.f32.msk $0xffff, v7  }
0xf3: {  	s29 =	sor.u32 $0x2C10, s15;
	[tilespmem:s28+$0x0] =	vst.add.f32.msk $0xffff, v8  }
0xf4: {  	s30 =	sor.u32 $0x2C20, s15;
	[tilespmem:s29+$0x0] =	vst.add.f32.msk $0xffff, v9  }
0xf5: {  	s31 =	sor.u32 $0x2C30, s15;
	[tilespmem:s30+$0x0] =	vst.add.f32.msk $0xffff, v10  }
0xf6: {  	s18 =	simm.s32 $0x800;
	s17 =	sor.u32 $0x2C40, s15;
	[tilespmem:s31+$0x0] =	vst.add.f32.msk $0xffff, v11  }
0xf7: {  	s19 =	sor.u32 $0x2C50, s15;
	s16 =	sor.u32 $0x2C60, s15;
	[tilespmem:s17+$0x0] =	vst.add.f32.msk $0xffff, v12;
	s17 =	simm.s32 $0x80  }
.LBB2_11:
0xf8: {  	s20 =	sand.u32 $0xC000, s18  }
0xf9: {  	s21 =	sand.u32 $0x380, s17;
	[tilespmem:s19+$0x0] =	vst.add.f32.msk $0xffff, v13;
	s19 =	smov.u32 s18;
	s22 =	sadd.s32 $0x800, s18  }
0xfa: {  	p0 =	sne.s32 s18, $0xF800;
	s18 =	sor.u32 $0x2C70, s15;
	[tilespmem:s16+$0x0] =	vst.add.f32.msk $0xffff, v14;
	s15 =	sor.u32 s21, s20  }
0xfb: {  	s19 =	sor.u32 $0x2800, s15;
	s16 =	sor.u32 $0x2C60, s15;
	[tilespmem:s18+$0x0] =	vst.add.f32.msk $0xffff, v15  }
0xfc: {  	s18 =	sor.u32 $0x2810, s15;
	[tilespmem:s19+$0x0] =	vst.add.f32.msk $0xffff, v0  }
0xfd: {  	[tilespmem:s18+$0x0] =	vst.add.f32.msk $0xffff, v1;
	s18 =	sor.u32 $0x2820, s15  }
0xfe: {  	[tilespmem:s18+$0x0] =	vst.add.f32.msk $0xffff, v2;
	s18 =	sor.u32 $0x2830, s15  }
0xff: {  	[tilespmem:s18+$0x0] =	vst.add.f32.msk $0xffff, v3;
	s18 =	sor.u32 $0x2840, s15  }
0x100: {  	[tilespmem:s18+$0x0] =	vst.add.f32.msk $0xffff, v4;
	s18 =	sor.u32 $0x2850, s15  }
0x101: {  	[tilespmem:s18+$0x0] =	vst.add.f32.msk $0xffff, v5;
	s18 =	sor.u32 $0x2860, s15  }
0x102: {  	[tilespmem:s18+$0x0] =	vst.add.f32.msk $0xffff, v6;
	s18 =	sor.u32 $0x2870, s15  }
0x103: {  	[tilespmem:s18+$0x0] =	vst.add.f32.msk $0xffff, v7;
	s18 =	sor.u32 $0x2C00, s15  }
.Ltmp4:
0x104: {  	[tilespmem:s18+$0x0] =	vst.add.f32.msk $0xffff, v8;
	s18 =	sor.u32 $0x2C10, s15;
	(pc) =	sbr.rel @p0 .LBB2_11-.Ltmp4, $4  }
0x105: {  	[tilespmem:s18+$0x0] =	vst.add.f32.msk $0xffff, v9;
	s18 =	sor.u32 $0x2C20, s15  }
0x106: {  	[tilespmem:s18+$0x0] =	vst.add.f32.msk $0xffff, v10;
	s18 =	sor.u32 $0x2C30, s15  }
0x107: {  	[tilespmem:s18+$0x0] =	vst.add.f32.msk $0xffff, v11;
	s18 =	sor.u32 $0x2C40, s15  }
0x108: {  	s17 =	sadd.s32 $0x80, s17;
	s19 =	sor.u32 $0x2C50, s15;
	[tilespmem:s18+$0x0] =	vst.add.f32.msk $0xffff, v12;
	s18 =	smov.u32 s22  }
0x109: {  	[tilespmem:s19+$0x0] =	vst.add.f32.msk $0xffff, v13  }
0x10a: {  	s15 =	sor.u32 $0x2C70, s15;
	[tilespmem:s16+$0x0] =	vst.add.f32.msk $0xffff, v14  }
0x10b: {  	[tilespmem:s15+$0x0] =	vst.add.f32.msk $0xffff, v15  }
0x10c: {  	v0 =	vld [tilespmem:$0x500]  }
0x10d: {  	v1 =	vld [tilespmem:$0x510]  }
0x10e: {  	v2 =	vld [tilespmem:$0x520]  }
0x10f: {  	v3 =	vld [tilespmem:$0x530]  }
0x110: {  	v4 =	vld [tilespmem:$0x540]  }
0x111: {  	v5 =	vld [tilespmem:$0x550]  }
0x112: {  	v6 =	vld [tilespmem:$0x560]  }
0x113: {  	v7 =	vld [tilespmem:$0x570]  }
0x114: {  	v8 =	vld [tilespmem:$0x580]  }
0x115: {  	v9 =	vld [tilespmem:$0x590]  }
0x116: {  	v10 =	vld [tilespmem:$0x5A0]  }
0x117: {  	v11 =	vld [tilespmem:$0x5B0]  }
0x118: {  	s18 =	simm.s32 $0x0;
	v12 =	vld [tilespmem:$0x5C0]  }
0x119: {  	s19 =	sand.u32 $0xC000, s18;
	s15 =	sand.u32 $0x380, s18;
	v13 =	vld [tilespmem:$0x5D0]  }
0x11a: {  	v14 =	vld [tilespmem:$0x5E0];
	s15 =	sor.u32 s15, s19  }
0x11b: {  	v15 =	vld [tilespmem:$0x5F0];
	s16 =	sor.u32 $0x3000, s15  }
0x11c: {  	s20 =	sor.u32 $0x3010, s15;
	[tilespmem:s16+$0x0] =	vst.add.f32.msk $0xffff, v0  }
0x11d: {  	s21 =	sor.u32 $0x3020, s15;
	[tilespmem:s20+$0x0] =	vst.add.f32.msk $0xffff, v1  }
0x11e: {  	s22 =	sor.u32 $0x3030, s15;
	[tilespmem:s21+$0x0] =	vst.add.f32.msk $0xffff, v2  }
0x11f: {  	s23 =	sor.u32 $0x3040, s15;
	[tilespmem:s22+$0x0] =	vst.add.f32.msk $0xffff, v3  }
0x120: {  	s24 =	sor.u32 $0x3050, s15;
	[tilespmem:s23+$0x0] =	vst.add.f32.msk $0xffff, v4  }
0x121: {  	s25 =	sor.u32 $0x3060, s15;
	[tilespmem:s24+$0x0] =	vst.add.f32.msk $0xffff, v5  }
0x122: {  	s26 =	sor.u32 $0x3070, s15;
	[tilespmem:s25+$0x0] =	vst.add.f32.msk $0xffff, v6  }
0x123: {  	s28 =	sor.u32 $0x3400, s15;
	[tilespmem:s26+$0x0] =	vst.add.f32.msk $0xffff, v7  }
0x124: {  	s29 =	sor.u32 $0x3410, s15;
	[tilespmem:s28+$0x0] =	vst.add.f32.msk $0xffff, v8  }
0x125: {  	s30 =	sor.u32 $0x3420, s15;
	[tilespmem:s29+$0x0] =	vst.add.f32.msk $0xffff, v9  }
0x126: {  	s31 =	sor.u32 $0x3430, s15;
	[tilespmem:s30+$0x0] =	vst.add.f32.msk $0xffff, v10  }
0x127: {  	s18 =	simm.s32 $0x800;
	s17 =	sor.u32 $0x3440, s15;
	[tilespmem:s31+$0x0] =	vst.add.f32.msk $0xffff, v11  }
0x128: {  	s19 =	sor.u32 $0x3450, s15;
	s16 =	sor.u32 $0x3460, s15;
	[tilespmem:s17+$0x0] =	vst.add.f32.msk $0xffff, v12;
	s17 =	simm.s32 $0x80  }
.LBB2_13:
0x129: {  	s20 =	sand.u32 $0xC000, s18  }
0x12a: {  	s21 =	sand.u32 $0x380, s17;
	[tilespmem:s19+$0x0] =	vst.add.f32.msk $0xffff, v13;
	s19 =	smov.u32 s18;
	s22 =	sadd.s32 $0x800, s18  }
0x12b: {  	p0 =	sne.s32 s18, $0xF800;
	s18 =	sor.u32 $0x3470, s15;
	[tilespmem:s16+$0x0] =	vst.add.f32.msk $0xffff, v14;
	s15 =	sor.u32 s21, s20  }
0x12c: {  	s19 =	sor.u32 $0x3000, s15;
	s16 =	sor.u32 $0x3460, s15;
	[tilespmem:s18+$0x0] =	vst.add.f32.msk $0xffff, v15  }
0x12d: {  	s18 =	sor.u32 $0x3010, s15;
	[tilespmem:s19+$0x0] =	vst.add.f32.msk $0xffff, v0  }
0x12e: {  	[tilespmem:s18+$0x0] =	vst.add.f32.msk $0xffff, v1;
	s18 =	sor.u32 $0x3020, s15  }
0x12f: {  	[tilespmem:s18+$0x0] =	vst.add.f32.msk $0xffff, v2;
	s18 =	sor.u32 $0x3030, s15  }
0x130: {  	[tilespmem:s18+$0x0] =	vst.add.f32.msk $0xffff, v3;
	s18 =	sor.u32 $0x3040, s15  }
0x131: {  	[tilespmem:s18+$0x0] =	vst.add.f32.msk $0xffff, v4;
	s18 =	sor.u32 $0x3050, s15  }
0x132: {  	[tilespmem:s18+$0x0] =	vst.add.f32.msk $0xffff, v5;
	s18 =	sor.u32 $0x3060, s15  }
0x133: {  	[tilespmem:s18+$0x0] =	vst.add.f32.msk $0xffff, v6;
	s18 =	sor.u32 $0x3070, s15  }
0x134: {  	[tilespmem:s18+$0x0] =	vst.add.f32.msk $0xffff, v7;
	s18 =	sor.u32 $0x3400, s15  }
.Ltmp5:
0x135: {  	[tilespmem:s18+$0x0] =	vst.add.f32.msk $0xffff, v8;
	s18 =	sor.u32 $0x3410, s15;
	(pc) =	sbr.rel @p0 .LBB2_13-.Ltmp5, $4  }
0x136: {  	[tilespmem:s18+$0x0] =	vst.add.f32.msk $0xffff, v9;
	s18 =	sor.u32 $0x3420, s15  }
0x137: {  	[tilespmem:s18+$0x0] =	vst.add.f32.msk $0xffff, v10;
	s18 =	sor.u32 $0x3430, s15  }
0x138: {  	[tilespmem:s18+$0x0] =	vst.add.f32.msk $0xffff, v11;
	s18 =	sor.u32 $0x3440, s15  }
0x139: {  	s17 =	sadd.s32 $0x80, s17;
	s19 =	sor.u32 $0x3450, s15;
	[tilespmem:s18+$0x0] =	vst.add.f32.msk $0xffff, v12;
	s18 =	smov.u32 s22  }
0x13a: {  	[tilespmem:s19+$0x0] =	vst.add.f32.msk $0xffff, v13  }
0x13b: {  	s15 =	sor.u32 $0x3470, s15;
	[tilespmem:s16+$0x0] =	vst.add.f32.msk $0xffff, v14  }
0x13c: {  	[tilespmem:s15+$0x0] =	vst.add.f32.msk $0xffff, v15  }
0x13d: {  	v0 =	vld [tilespmem:$0x600]  }
0x13e: {  	v1 =	vld [tilespmem:$0x610]  }
0x13f: {  	v2 =	vld [tilespmem:$0x620]  }
0x140: {  	v3 =	vld [tilespmem:$0x630]  }
0x141: {  	v4 =	vld [tilespmem:$0x640]  }
0x142: {  	v5 =	vld [tilespmem:$0x650]  }
0x143: {  	v6 =	vld [tilespmem:$0x660]  }
0x144: {  	v7 =	vld [tilespmem:$0x670]  }
0x145: {  	v8 =	vld [tilespmem:$0x680]  }
0x146: {  	v9 =	vld [tilespmem:$0x690]  }
0x147: {  	v10 =	vld [tilespmem:$0x6A0]  }
0x148: {  	v11 =	vld [tilespmem:$0x6B0]  }
0x149: {  	s18 =	simm.s32 $0x0;
	v12 =	vld [tilespmem:$0x6C0]  }
0x14a: {  	s19 =	sand.u32 $0xC000, s18;
	s15 =	sand.u32 $0x380, s18;
	v13 =	vld [tilespmem:$0x6D0]  }
0x14b: {  	v14 =	vld [tilespmem:$0x6E0];
	s15 =	sor.u32 s15, s19  }
0x14c: {  	v15 =	vld [tilespmem:$0x6F0];
	s16 =	sor.u32 $0x3800, s15  }
0x14d: {  	s20 =	sor.u32 $0x3810, s15;
	[tilespmem:s16+$0x0] =	vst.add.f32.msk $0xffff, v0  }
0x14e: {  	s21 =	sor.u32 $0x3820, s15;
	[tilespmem:s20+$0x0] =	vst.add.f32.msk $0xffff, v1  }
0x14f: {  	s22 =	sor.u32 $0x3830, s15;
	[tilespmem:s21+$0x0] =	vst.add.f32.msk $0xffff, v2  }
0x150: {  	s23 =	sor.u32 $0x3840, s15;
	[tilespmem:s22+$0x0] =	vst.add.f32.msk $0xffff, v3  }
0x151: {  	s24 =	sor.u32 $0x3850, s15;
	[tilespmem:s23+$0x0] =	vst.add.f32.msk $0xffff, v4  }
0x152: {  	s25 =	sor.u32 $0x3860, s15;
	[tilespmem:s24+$0x0] =	vst.add.f32.msk $0xffff, v5  }
0x153: {  	s26 =	sor.u32 $0x3870, s15;
	[tilespmem:s25+$0x0] =	vst.add.f32.msk $0xffff, v6  }
0x154: {  	s28 =	sor.u32 $0x3C00, s15;
	[tilespmem:s26+$0x0] =	vst.add.f32.msk $0xffff, v7  }
0x155: {  	s29 =	sor.u32 $0x3C10, s15;
	[tilespmem:s28+$0x0] =	vst.add.f32.msk $0xffff, v8  }
0x156: {  	s30 =	sor.u32 $0x3C20, s15;
	[tilespmem:s29+$0x0] =	vst.add.f32.msk $0xffff, v9  }
0x157: {  	s31 =	sor.u32 $0x3C30, s15;
	[tilespmem:s30+$0x0] =	vst.add.f32.msk $0xffff, v10  }
0x158: {  	s18 =	simm.s32 $0x800;
	s17 =	sor.u32 $0x3C40, s15;
	[tilespmem:s31+$0x0] =	vst.add.f32.msk $0xffff, v11  }
0x159: {  	s19 =	sor.u32 $0x3C50, s15;
	s16 =	sor.u32 $0x3C60, s15;
	[tilespmem:s17+$0x0] =	vst.add.f32.msk $0xffff, v12;
	s17 =	simm.s32 $0x80  }
.LBB2_15:
0x15a: {  	s20 =	sand.u32 $0xC000, s18  }
0x15b: {  	s21 =	sand.u32 $0x380, s17;
	[tilespmem:s19+$0x0] =	vst.add.f32.msk $0xffff, v13;
	s19 =	smov.u32 s18;
	s22 =	sadd.s32 $0x800, s18  }
0x15c: {  	p0 =	sne.s32 s18, $0xF800;
	s18 =	sor.u32 $0x3C70, s15;
	[tilespmem:s16+$0x0] =	vst.add.f32.msk $0xffff, v14;
	s15 =	sor.u32 s21, s20  }
0x15d: {  	s19 =	sor.u32 $0x3800, s15;
	s16 =	sor.u32 $0x3C60, s15;
	[tilespmem:s18+$0x0] =	vst.add.f32.msk $0xffff, v15  }
0x15e: {  	s18 =	sor.u32 $0x3810, s15;
	[tilespmem:s19+$0x0] =	vst.add.f32.msk $0xffff, v0  }
0x15f: {  	[tilespmem:s18+$0x0] =	vst.add.f32.msk $0xffff, v1;
	s18 =	sor.u32 $0x3820, s15  }
0x160: {  	[tilespmem:s18+$0x0] =	vst.add.f32.msk $0xffff, v2;
	s18 =	sor.u32 $0x3830, s15  }
0x161: {  	[tilespmem:s18+$0x0] =	vst.add.f32.msk $0xffff, v3;
	s18 =	sor.u32 $0x3840, s15  }
0x162: {  	[tilespmem:s18+$0x0] =	vst.add.f32.msk $0xffff, v4;
	s18 =	sor.u32 $0x3850, s15  }
0x163: {  	[tilespmem:s18+$0x0] =	vst.add.f32.msk $0xffff, v5;
	s18 =	sor.u32 $0x3860, s15  }
0x164: {  	[tilespmem:s18+$0x0] =	vst.add.f32.msk $0xffff, v6;
	s18 =	sor.u32 $0x3870, s15  }
0x165: {  	[tilespmem:s18+$0x0] =	vst.add.f32.msk $0xffff, v7;
	s18 =	sor.u32 $0x3C00, s15  }
.Ltmp6:
0x166: {  	[tilespmem:s18+$0x0] =	vst.add.f32.msk $0xffff, v8;
	s18 =	sor.u32 $0x3C10, s15;
	(pc) =	sbr.rel @p0 .LBB2_15-.Ltmp6, $4  }
0x167: {  	[tilespmem:s18+$0x0] =	vst.add.f32.msk $0xffff, v9;
	s18 =	sor.u32 $0x3C20, s15  }
0x168: {  	[tilespmem:s18+$0x0] =	vst.add.f32.msk $0xffff, v10;
	s18 =	sor.u32 $0x3C30, s15  }
0x169: {  	[tilespmem:s18+$0x0] =	vst.add.f32.msk $0xffff, v11;
	s18 =	sor.u32 $0x3C40, s15  }
0x16a: {  	s17 =	sadd.s32 $0x80, s17;
	s19 =	sor.u32 $0x3C50, s15;
	[tilespmem:s18+$0x0] =	vst.add.f32.msk $0xffff, v12;
	s18 =	smov.u32 s22  }
0x16b: {  	[tilespmem:s19+$0x0] =	vst.add.f32.msk $0xffff, v13  }
0x16c: {  	s15 =	sor.u32 $0x3C70, s15;
	[tilespmem:s16+$0x0] =	vst.add.f32.msk $0xffff, v14  }
0x16d: {  	[tilespmem:s15+$0x0] =	vst.add.f32.msk $0xffff, v15  }
0x16e: {  	v0 =	vld [tilespmem:$0x700]  }
0x16f: {  	v1 =	vld [tilespmem:$0x710]  }
0x170: {  	v2 =	vld [tilespmem:$0x720]  }
0x171: {  	v3 =	vld [tilespmem:$0x730]  }
0x172: {  	v4 =	vld [tilespmem:$0x740]  }
0x173: {  	v5 =	vld [tilespmem:$0x750]  }
0x174: {  	v6 =	vld [tilespmem:$0x760]  }
0x175: {  	v7 =	vld [tilespmem:$0x770]  }
0x176: {  	v8 =	vld [tilespmem:$0x780]  }
0x177: {  	v9 =	vld [tilespmem:$0x790]  }
0x178: {  	v10 =	vld [tilespmem:$0x7A0]  }
0x179: {  	s15 =	simm.s32 $0x0;
	v11 =	vld [tilespmem:$0x7B0]  }
0x17a: {  	v12 =	vld [tilespmem:$0x7C0];
	s20 =	sand.u32 $0x7, s15  }
0x17b: {  	v13 =	vld [tilespmem:$0x7D0];
	s16 =	sshll.u32 s20, $0x7  }
0x17c: {  	v14 =	vld [tilespmem:$0x7E0];
	s16 =	sadd.s32 $0x0, s16  }
0x17d: {  	v15 =	vld [tilespmem:$0x7F0];
	s17 =	sor.u32 $0x3800, s16  }
0x17e: {  	s21 =	sor.u32 $0x3810, s16;
	[tilespmem:s17+$0x800] =	vst.add.f32.msk $0xffff, v0  }
0x17f: {  	s22 =	sor.u32 $0x3820, s16;
	[tilespmem:s21+$0x800] =	vst.add.f32.msk $0xffff, v1  }
0x180: {  	s23 =	sor.u32 $0x3830, s16;
	[tilespmem:s22+$0x800] =	vst.add.f32.msk $0xffff, v2  }
0x181: {  	s24 =	sor.u32 $0x3840, s16;
	[tilespmem:s23+$0x800] =	vst.add.f32.msk $0xffff, v3  }
0x182: {  	s25 =	sor.u32 $0x3850, s16;
	[tilespmem:s24+$0x800] =	vst.add.f32.msk $0xffff, v4  }
0x183: {  	s26 =	sor.u32 $0x3860, s16;
	[tilespmem:s25+$0x800] =	vst.add.f32.msk $0xffff, v5  }
0x184: {  	s28 =	sor.u32 $0x3870, s16;
	[tilespmem:s26+$0x800] =	vst.add.f32.msk $0xffff, v6  }
0x185: {  	s29 =	sor.u32 $0x3C00, s16;
	[tilespmem:s28+$0x800] =	vst.add.f32.msk $0xffff, v7  }
0x186: {  	s30 =	sor.u32 $0x3C10, s16;
	[tilespmem:s29+$0x800] =	vst.add.f32.msk $0xffff, v8  }
0x187: {  	s18 =	sor.u32 $0x3C20, s16;
	[tilespmem:s30+$0x800] =	vst.add.f32.msk $0xffff, v9  }
0x188: {  	s31 =	sor.u32 $0x3C30, s16;
	s19 =	sor.u32 $0x3C50, s16;
	[tilespmem:s18+$0x800] =	vst.add.f32.msk $0xffff, v10  }
0x189: {  	s20 =	sor.u32 $0x3C40, s16;
	s17 =	simm.s32 $0x80;
	s18 =	simm.s32 $0x1;
	[tilespmem:s31+$0x800] =	vst.add.f32.msk $0xffff, v11  }
.LBB2_17:
0x18a: {  	s21 =	sand.u32 $0x7, s18;
	p0 =	sne.s32 s17, $0xF80;
	s17 =	sadd.s32 $0x80, s17;
	[tilespmem:s20+$0x800] =	vst.add.f32.msk $0xffff, v12  }
0x18b: {  	s15 =	sadd.s32 $0x800, s15;
	s20 =	sshll.u32 s21, $0x7;
	[tilespmem:s19+$0x800] =	vst.add.f32.msk $0xffff, v13;
	s19 =	sor.u32 $0x3C60, s16  }
0x18c: {  	s21 =	sor.u32 $0x3C70, s16;
	[tilespmem:s19+$0x800] =	vst.add.f32.msk $0xffff, v14;
	s16 =	sadd.s32 s20, s15  }
0x18d: {  	s20 =	sor.u32 $0x3800, s16;
	s19 =	sor.u32 $0x3C50, s16;
	[tilespmem:s21+$0x800] =	vst.add.f32.msk $0xffff, v15  }
0x18e: {  	[tilespmem:s20+$0x800] =	vst.add.f32.msk $0xffff, v0;
	s20 =	sor.u32 $0x3810, s16  }
0x18f: {  	[tilespmem:s20+$0x800] =	vst.add.f32.msk $0xffff, v1;
	s20 =	sor.u32 $0x3820, s16  }
0x190: {  	[tilespmem:s20+$0x800] =	vst.add.f32.msk $0xffff, v2;
	s20 =	sor.u32 $0x3830, s16  }
0x191: {  	[tilespmem:s20+$0x800] =	vst.add.f32.msk $0xffff, v3;
	s20 =	sor.u32 $0x3840, s16  }
0x192: {  	[tilespmem:s20+$0x800] =	vst.add.f32.msk $0xffff, v4;
	s20 =	sor.u32 $0x3850, s16  }
0x193: {  	[tilespmem:s20+$0x800] =	vst.add.f32.msk $0xffff, v5;
	s20 =	sor.u32 $0x3860, s16  }
0x194: {  	[tilespmem:s20+$0x800] =	vst.add.f32.msk $0xffff, v6;
	s20 =	sor.u32 $0x3870, s16  }
.Ltmp7:
0x195: {  	[tilespmem:s20+$0x800] =	vst.add.f32.msk $0xffff, v7;
	s20 =	sor.u32 $0x3C00, s16;
	(pc) =	sbr.rel @p0 .LBB2_17-.Ltmp7, $4  }
0x196: {  	[tilespmem:s20+$0x800] =	vst.add.f32.msk $0xffff, v8;
	s20 =	sor.u32 $0x3C10, s16  }
0x197: {  	[tilespmem:s20+$0x800] =	vst.add.f32.msk $0xffff, v9;
	s20 =	sor.u32 $0x3C20, s16  }
0x198: {  	[tilespmem:s20+$0x800] =	vst.add.f32.msk $0xffff, v10;
	s20 =	sor.u32 $0x3C30, s16  }
0x199: {  	s18 =	sadd.s32 $0x1, s18;
	[tilespmem:s20+$0x800] =	vst.add.f32.msk $0xffff, v11;
	s20 =	sor.u32 $0x3C40, s16  }
0x19a: {  	[tilespmem:s20+$0x800] =	vst.add.f32.msk $0xffff, v12  }
0x19b: {  	s15 =	sor.u32 $0x3C60, s16;
	s13 =	sadd.s32 $0x1, s13;
	[tilespmem:s19+$0x800] =	vst.add.f32.msk $0xffff, v13  }
0x19c: {  	s31 =	sor.u32 $0x3C70, s16;
	p0 =	sne.s32 s13, $0x10;
	[tilespmem:s15+$0x800] =	vst.add.f32.msk $0xffff, v14  }
.Ltmp8:
0x19d: {  	s14 =	sadd.s32 s4, s14;
	[tilespmem:s31+$0x800] =	vst.add.f32.msk $0xffff, v15;
	(pc) =	sbr.rel @p0 .LBB2_2-.Ltmp8, $4  }
0x19e: {  	[hbm4b:s14+s2] =	stream.linear.scatter [tilespmem:s11], [sflag:$0x1], $0x10000, $0x38;
	[tilespmem:$0x10800] =	vst v63  }
0x19f: {  	_ =	swait.ge [sflag:s10], $0x10000  }
0x1a0: {  	[sflag:s10] =	ssyncset.done $0x0  }
0x1a1: {  	[sflag:s10] =	ssyncadd.s32 $0xFFFF0000  }
0x1a2: {  	s12 =	sadd.s32 $0x1, s12  }
0x1a3: {  	p0 =	sne.s32 s12, s7  }
.Ltmp9:
0x1a4: {  	_ = 	snop;
	(pc) =	sbr.rel @p0 .LBB2_1-.Ltmp9, $1  }
0x1a5: {  	_ =	sdelay $0x3  }
0x1a6: {  	_ =	sfence.sel $0x180000  }
0x1a7: {  	[bflag:$0x0] =	sbarrier.arrive $0xFFFF  }
0x1a8: {  	p0 =	sne.s32 s3, $0x0;
	_ =	strace $0x90000047  }
0x1a9: {  	s0 =	sadd.s32 @!p0 $0x100000, s0;
	[bflag:$0x2] =	sbarrier.arrive $0xFFFF  }
0x1aa: {  	[sflag:s0] =	ssyncadd.tile.s32 @!p0 $0x1;
	_ =	shalt  }
.Lfunc_end2:
_tile_overlayer_lowered:
.L_overlay_start_2:
0x1ab: {  	(tag) =	ssettag $0x2  }
0x1ac: {  	s0 =	rddreg [dreg:$0x0];
	s2 =	stileid.u32  }
0x1ad: {  	s1 =	rddreg [dreg:$0x1];
	p0 =	sne.s32 s2, $0x0  }
0x1ae: {  	s3 =	rddreg [dreg:$0x2];
	[bflag:$0x3] =	sbarrier.arrive $0xFFFF;
	s2 =	simm.s32 @!p0 $0x1C01  }
0x1af: {  	[timem:s3], [sflag:s2] =	dma.local @!p0 [hbm:s0], s1  }
0x1b0: {  	s0 =	simm.s32 @!p0 $0x1  }
0x1b1: {  	_ =	swait.ge @!p0 [sflag:s0], s1  }
0x1b2: {  	s1 =	ssub.s32 @!p0 $0x0, s1;
	[sflag:s0] =	ssyncset.done @!p0 $0x0  }
0x1b3: {  	[sflag:s0] =	ssyncadd.s32 @!p0 s1  }
0x1b4: {  	[bflag:$0x3] =	sbarrier.arrive $0xFFFF  }
0x1b5: {  	_ =	shalt  }

</sc_bundles>
